<compile_context>
chip_gen: v7x
topology: tpu7x:2x2x1
jax: 0.10.2.dev20260603
libtpu: 0.0.44.dev20260713+nightly
codegen_flags: <defaults>
</compile_context>

<pallas_src>
import functools

import jax
import jax.numpy as jnp
from jax import lax
from jax.experimental import pallas as pl
from jax.experimental.pallas import tpu as pltpu
from jax.experimental.pallas import tpu_sc as plsc

_W = 192
_RI = 24
_CH_IN = _RI * _W
_CH_OUT = 4 * _CH_IN
_NW = 32
_NB = 4


def _sc_body(x_hbm, idx_hbm, out_hbm, *refs):
    xbs = refs[0:_NB]
    ibs = refs[_NB:2 * _NB]
    obs = refs[2 * _NB:3 * _NB]
    sxs = refs[3 * _NB:4 * _NB]
    sis = refs[4 * _NB:5 * _NB]
    sos = refs[5 * _NB:6 * _NB]
    n_chunks = x_hbm.shape[0] // _CH_IN
    per_w = n_chunks // _NW
    cpp = (_W * _W) // _CH_IN
    wid = lax.axis_index("s") * 2 + lax.axis_index("c")
    base = wid * per_w

    def in_copies(c, b):
        return (
            pltpu.make_async_copy(
                x_hbm.at[pl.ds(c * _CH_IN, _CH_IN)], xbs[b], sxs[b]),
            pltpu.make_async_copy(
                idx_hbm.at[pl.ds(c * _CH_IN, _CH_IN)], ibs[b], sis[b]),
        )

    def out_copy(c, b):
        return pltpu.make_async_copy(
            obs[b], out_hbm.at[pl.ds(c * _CH_OUT, _CH_OUT)], sos[b])

    for b in range(_NB):
        for cc in in_copies(base + b, b):
            cc.start()

    def ring_body(p, carry):
        for b in range(_NB):
            t = _NB * p + b
            c = base + t
            ob, xb, ib = obs[b], xbs[b], ibs[b]

            @pl.when(t >= _NB)
            def _():
                out_copy(c - _NB, b).wait()

            @plsc.parallel_loop(0, _CH_OUT, step=16, unroll=8)
            def _(z):
                ob[pl.ds(z, 16)] = jnp.zeros((16,), jnp.float32)

            for cc in in_copies(c, b):
                cc.wait()

            pbase = (c % cpp) * _CH_OUT

            @plsc.parallel_loop(0, _CH_IN, step=16, unroll=4)
            def _(k):
                xv = xb[pl.ds(k, 16)]
                iv = ib[pl.ds(k, 16)]
                plsc.store_scatter(ob, [iv - pbase], xv)

            out_copy(c, b).start()

            @pl.when(t + _NB < per_w)
            def _():
                for cc in in_copies(c + _NB, b):
                    cc.start()
        return carry

    lax.fori_loop(0, per_w // _NB, ring_body, 0)
    for b in range(_NB):
        out_copy(base + per_w - _NB + b, b).wait()


def kernel(x, indices):
    b, ch, h, w = x.shape
    xf = x.reshape(-1)
    idxf = indices.astype(jnp.int32).reshape(-1)
    total_out = b * ch * 4 * h * w
    mesh = plsc.VectorSubcoreMesh(core_axis_name="c", subcore_axis_name="s")
    scratch = (
        [pltpu.VMEM((_CH_IN,), jnp.float32) for _ in range(_NB)]
        + [pltpu.VMEM((_CH_IN,), jnp.int32) for _ in range(_NB)]
        + [pltpu.VMEM((_CH_OUT,), jnp.float32) for _ in range(_NB)]
        + [pltpu.SemaphoreType.DMA for _ in range(3 * _NB)]
    )
    sc_call = functools.partial(
        pl.kernel,
        mesh=mesh,
        out_type=jax.ShapeDtypeStruct((total_out,), jnp.float32),
        scratch_types=scratch,
        compiler_params=pltpu.CompilerParams(needs_layout_passes=False),
    )(_sc_body)
    out = sc_call(xf, idxf)
    return out.reshape(b, ch, 2 * h, 2 * w)

# --- scband reference (transcript-rebuilt; emitter-appended) ---
"""Pipeline reference for scband-max-unpool2d-a-26706106646850 (READ-ONLY COPY).

The authoritative reference and input builder live on the scoring server;
editing this copy changes nothing except your own understanding.
"""

import jax, jax.numpy as jnp
import numpy as np

B, C, H, W = 4, 96, 192, 192
KS = 2
H_OUT, W_OUT = H * KS, W * KS


def setup_inputs(seed: int = 0) -> dict:
    key = jax.random.key(seed)
    k1, k2, k3 = jax.random.split(key, 3)
    x = jax.random.normal(k1, (B, C, H, W), dtype=jnp.float32)
    # Build valid max-pool indices: for each pooled cell, pick one position in its 2x2 window
    r = jax.random.randint(k2, (B, C, H, W), 0, KS)
    c = jax.random.randint(k3, (B, C, H, W), 0, KS)
    ii = jnp.arange(H).reshape(1, 1, H, 1)
    jj = jnp.arange(W).reshape(1, 1, 1, W)
    indices = (KS * ii + r) * W_OUT + (KS * jj + c)
    return {"x": x, "indices": indices}


def reference(x, indices):
    # MaxUnpool2d: scatter x values into zero output at flat spatial positions `indices`
    b, ch, h, w = x.shape
    h_out, w_out = h * KS, w * KS
    out = jnp.zeros((b, ch, h_out * w_out), dtype=x.dtype)
    bi = jnp.arange(b).reshape(b, 1, 1)
    ci = jnp.arange(ch).reshape(1, ch, 1)
    flat_idx = indices.reshape(b, ch, h * w)
    flat_val = x.reshape(b, ch, h * w)
    out = out.at[bi, ci, flat_idx].set(flat_val)
    return out.reshape(b, ch, h_out, w_out)

if __name__ == "__main__":
    import jax
    _d = setup_inputs()
    print(jax.jit(kernel)(*tuple(_d.values())))

</pallas_src>

<mosaic_0001>
#map = affine_map<(d0, d1) -> (0)>
module attributes {stable_mosaic.version = 14 : i64} {
  func.func @_sc_body(%arg0: i32, %arg1: i32, %arg2: memref<14155776xf32, #tpu.memory_space<hbm>>, %arg3: memref<14155776xi32, #tpu.memory_space<hbm>>, %arg4: memref<56623104xf32, #tpu.memory_space<hbm>>, %arg5: memref<4608xf32, #tpu.memory_space<vmem>>, %arg6: memref<4608xf32, #tpu.memory_space<vmem>>, %arg7: memref<4608xf32, #tpu.memory_space<vmem>>, %arg8: memref<4608xf32, #tpu.memory_space<vmem>>, %arg9: memref<4608xi32, #tpu.memory_space<vmem>>, %arg10: memref<4608xi32, #tpu.memory_space<vmem>>, %arg11: memref<4608xi32, #tpu.memory_space<vmem>>, %arg12: memref<4608xi32, #tpu.memory_space<vmem>>, %arg13: memref<18432xf32, #tpu.memory_space<vmem>>, %arg14: memref<18432xf32, #tpu.memory_space<vmem>>, %arg15: memref<18432xf32, #tpu.memory_space<vmem>>, %arg16: memref<18432xf32, #tpu.memory_space<vmem>>, %arg17: memref<!tpu.dma_semaphore, #tpu.memory_space<semaphore_mem>>, %arg18: memref<!tpu.dma_semaphore, #tpu.memory_space<semaphore_mem>>, %arg19: memref<!tpu.dma_semaphore, #tpu.memory_space<semaphore_mem>>, %arg20: memref<!tpu.dma_semaphore, #tpu.memory_space<semaphore_mem>>, %arg21: memref<!tpu.dma_semaphore, #tpu.memory_space<semaphore_mem>>, %arg22: memref<!tpu.dma_semaphore, #tpu.memory_space<semaphore_mem>>, %arg23: memref<!tpu.dma_semaphore, #tpu.memory_space<semaphore_mem>>, %arg24: memref<!tpu.dma_semaphore, #tpu.memory_space<semaphore_mem>>, %arg25: memref<!tpu.dma_semaphore, #tpu.memory_space<semaphore_mem>>, %arg26: memref<!tpu.dma_semaphore, #tpu.memory_space<semaphore_mem>>, %arg27: memref<!tpu.dma_semaphore, #tpu.memory_space<semaphore_mem>>, %arg28: memref<!tpu.dma_semaphore, #tpu.memory_space<semaphore_mem>>) attributes {dimension_semantics = [#tpu.dimension_semantics<core_parallel>, #tpu.dimension_semantics<subcore_parallel>], iteration_bounds = array<i64: 2, 16>, scalar_prefetch = 0 : i64, scratch_operands = 24 : i64, tpu.core_type = #tpu.core_type<sc_vector_subcore>, window_params = [{transform_indices = #map}, {transform_indices = #map}, {transform_indices = #map}]} {
    %mul3A = arith.constant 2 : i32
    %mul3A_0 = arith.muli %arg1, %mul3A : i32
    %add3A = arith.addi %mul3A_0, %arg0 : i32
    %mul3A_1 = arith.constant 96 : i32
    %mul3A_2 = arith.muli %add3A, %mul3A_1 : i32
    %add3A_3 = arith.constant 0 : i32
    %add3A_4 = arith.addi %mul3A_2, %add3A_3 : i32
    %mul3A_5 = arith.constant 4608 : i32
    %mul3A_6 = arith.muli %add3A_4, %mul3A_5 : i32
    %mul3A_7 = arith.constant 4608 : i32
    %mul3A_8 = arith.muli %add3A_4, %mul3A_7 : i32
    %dma_start3A = tpu.memref_slice %arg2[%mul3A_6] : memref<14155776xf32, #tpu.memory_space<hbm>> -> memref<4608xf32, #tpu.memory_space<hbm>>
    %dma_start3A_9 = tpu.memref_slice %arg2[%mul3A_6] : memref<14155776xf32, #tpu.memory_space<hbm>> -> memref<4608xf32, #tpu.memory_space<hbm>>
    tpu.enqueue_dma source(%dma_start3A_9 : memref<4608xf32, #tpu.memory_space<hbm>>) target(%arg5 : memref<4608xf32, #tpu.memory_space<vmem>>) target_semaphore(%arg17 : memref<!tpu.dma_semaphore, #tpu.memory_space<semaphore_mem>>)
    %dma_start3A_10 = tpu.memref_slice %arg3[%mul3A_8] : memref<14155776xi32, #tpu.memory_space<hbm>> -> memref<4608xi32, #tpu.memory_space<hbm>>
    %dma_start3A_11 = tpu.memref_slice %arg3[%mul3A_8] : memref<14155776xi32, #tpu.memory_space<hbm>> -> memref<4608xi32, #tpu.memory_space<hbm>>
    tpu.enqueue_dma source(%dma_start3A_11 : memref<4608xi32, #tpu.memory_space<hbm>>) target(%arg9 : memref<4608xi32, #tpu.memory_space<vmem>>) target_semaphore(%arg21 : memref<!tpu.dma_semaphore, #tpu.memory_space<semaphore_mem>>)
    %add3A_12 = arith.constant 1 : i32
    %add3A_13 = arith.addi %mul3A_2, %add3A_12 : i32
    %mul3A_14 = arith.constant 4608 : i32
    %mul3A_15 = arith.muli %add3A_13, %mul3A_14 : i32
    %mul3A_16 = arith.constant 4608 : i32
    %mul3A_17 = arith.muli %add3A_13, %mul3A_16 : i32
    %dma_start3A_18 = tpu.memref_slice %arg2[%mul3A_15] : memref<14155776xf32, #tpu.memory_space<hbm>> -> memref<4608xf32, #tpu.memory_space<hbm>>
    %dma_start3A_19 = tpu.memref_slice %arg2[%mul3A_15] : memref<14155776xf32, #tpu.memory_space<hbm>> -> memref<4608xf32, #tpu.memory_space<hbm>>
    tpu.enqueue_dma source(%dma_start3A_19 : memref<4608xf32, #tpu.memory_space<hbm>>) target(%arg6 : memref<4608xf32, #tpu.memory_space<vmem>>) target_semaphore(%arg18 : memref<!tpu.dma_semaphore, #tpu.memory_space<semaphore_mem>>)
    %dma_start3A_20 = tpu.memref_slice %arg3[%mul3A_17] : memref<14155776xi32, #tpu.memory_space<hbm>> -> memref<4608xi32, #tpu.memory_space<hbm>>
    %dma_start3A_21 = tpu.memref_slice %arg3[%mul3A_17] : memref<14155776xi32, #tpu.memory_space<hbm>> -> memref<4608xi32, #tpu.memory_space<hbm>>
    tpu.enqueue_dma source(%dma_start3A_21 : memref<4608xi32, #tpu.memory_space<hbm>>) target(%arg10 : memref<4608xi32, #tpu.memory_space<vmem>>) target_semaphore(%arg22 : memref<!tpu.dma_semaphore, #tpu.memory_space<semaphore_mem>>)
    %add3A_22 = arith.constant 2 : i32
    %add3A_23 = arith.addi %mul3A_2, %add3A_22 : i32
    %mul3A_24 = arith.constant 4608 : i32
    %mul3A_25 = arith.muli %add3A_23, %mul3A_24 : i32
    %mul3A_26 = arith.constant 4608 : i32
    %mul3A_27 = arith.muli %add3A_23, %mul3A_26 : i32
    %dma_start3A_28 = tpu.memref_slice %arg2[%mul3A_25] : memref<14155776xf32, #tpu.memory_space<hbm>> -> memref<4608xf32, #tpu.memory_space<hbm>>
    %dma_start3A_29 = tpu.memref_slice %arg2[%mul3A_25] : memref<14155776xf32, #tpu.memory_space<hbm>> -> memref<4608xf32, #tpu.memory_space<hbm>>
    tpu.enqueue_dma source(%dma_start3A_29 : memref<4608xf32, #tpu.memory_space<hbm>>) target(%arg7 : memref<4608xf32, #tpu.memory_space<vmem>>) target_semaphore(%arg19 : memref<!tpu.dma_semaphore, #tpu.memory_space<semaphore_mem>>)
    %dma_start3A_30 = tpu.memref_slice %arg3[%mul3A_27] : memref<14155776xi32, #tpu.memory_space<hbm>> -> memref<4608xi32, #tpu.memory_space<hbm>>
    %dma_start3A_31 = tpu.memref_slice %arg3[%mul3A_27] : memref<14155776xi32, #tpu.memory_space<hbm>> -> memref<4608xi32, #tpu.memory_space<hbm>>
    tpu.enqueue_dma source(%dma_start3A_31 : memref<4608xi32, #tpu.memory_space<hbm>>) target(%arg11 : memref<4608xi32, #tpu.memory_space<vmem>>) target_semaphore(%arg23 : memref<!tpu.dma_semaphore, #tpu.memory_space<semaphore_mem>>)
    %add3A_32 = arith.constant 3 : i32
    %add3A_33 = arith.addi %mul3A_2, %add3A_32 : i32
    %mul3A_34 = arith.constant 4608 : i32
    %mul3A_35 = arith.muli %add3A_33, %mul3A_34 : i32
    %mul3A_36 = arith.constant 4608 : i32
    %mul3A_37 = arith.muli %add3A_33, %mul3A_36 : i32
    %dma_start3A_38 = tpu.memref_slice %arg2[%mul3A_35] : memref<14155776xf32, #tpu.memory_space<hbm>> -> memref<4608xf32, #tpu.memory_space<hbm>>
    %dma_start3A_39 = tpu.memref_slice %arg2[%mul3A_35] : memref<14155776xf32, #tpu.memory_space<hbm>> -> memref<4608xf32, #tpu.memory_space<hbm>>
    tpu.enqueue_dma source(%dma_start3A_39 : memref<4608xf32, #tpu.memory_space<hbm>>) target(%arg8 : memref<4608xf32, #tpu.memory_space<vmem>>) target_semaphore(%arg20 : memref<!tpu.dma_semaphore, #tpu.memory_space<semaphore_mem>>)
    %dma_start3A_40 = tpu.memref_slice %arg3[%mul3A_37] : memref<14155776xi32, #tpu.memory_space<hbm>> -> memref<4608xi32, #tpu.memory_space<hbm>>
    %dma_start3A_41 = tpu.memref_slice %arg3[%mul3A_37] : memref<14155776xi32, #tpu.memory_space<hbm>> -> memref<4608xi32, #tpu.memory_space<hbm>>
    tpu.enqueue_dma source(%dma_start3A_41 : memref<4608xi32, #tpu.memory_space<hbm>>) target(%arg12 : memref<4608xi32, #tpu.memory_space<vmem>>) target_semaphore(%arg24 : memref<!tpu.dma_semaphore, #tpu.memory_space<semaphore_mem>>)
    %scan3A = arith.constant 0 : i32
    %scan3A_42 = arith.constant 0 : i32
    %scan3A_43 = arith.constant 24 : i32
    %scan3A_44 = arith.addi %scan3A_42, %scan3A_43 : i32
    %scan3A_45 = arith.constant 1 : i32
    scf.for %scan3A_85 = %scan3A_42 to %scan3A_44 step %scan3A_45  : i32 {
      %mul3A_86 = arith.constant 4 : i32
      %mul3A_87 = arith.muli %mul3A_86, %scan3A_85 : i32
      %add3A_88 = arith.constant 0 : i32
      %add3A_89 = arith.addi %mul3A_87, %add3A_88 : i32
      %add3A_90 = arith.addi %mul3A_2, %add3A_89 : i32
      %ge3A = arith.constant 4 : i32
      %ge3A_91 = arith.cmpi sge, %add3A_89, %ge3A : i32
      %convert_element_type3A = arith.extui %ge3A_91 : i1 to i32
      %cond3A = arith.constant 0 : i32
      %cond3A_92 = arith.cmpi ne, %convert_element_type3A, %cond3A : i32
      scf.if %cond3A_92 {
        %sub3A_287 = arith.constant 4 : i32
        %sub3A_288 = arith.subi %add3A_90, %sub3A_287 : i32
        %mul3A_289 = arith.constant 18432 : i32
        %mul3A_290 = arith.muli %sub3A_288, %mul3A_289 : i32
        %dma_wait3A_291 = tpu.memref_slice %arg4[%mul3A_290] : memref<56623104xf32, #tpu.memory_space<hbm>> -> memref<18432xf32, #tpu.memory_space<hbm>>
        %dma_wait3A_292 = tpu.memref_slice %arg4[%mul3A_290] : memref<56623104xf32, #tpu.memory_space<hbm>> -> memref<18432xf32, #tpu.memory_space<hbm>>
        tpu.wait_dma2 semaphore(%arg25 : memref<!tpu.dma_semaphore, #tpu.memory_space<semaphore_mem>>) src(%arg13 : memref<18432xf32, #tpu.memory_space<vmem>>) dst(%dma_wait3A_292 : memref<18432xf32, #tpu.memory_space<hbm>>)
      } else {
      }
      %parallel_loop3A = arith.constant 0 : i32
      %parallel_loop3A_93 = arith.constant 18432 : i32
      %parallel_loop3A_94 = arith.constant 16 : i32
      scf.for %parallel_loop3A_287 = %parallel_loop3A to %parallel_loop3A_93 step %parallel_loop3A_94  : i32 {
        %parallel_loop3A_288 = arith.constant 0.000000e+00 : f32
        %parallel_loop3A_289 = vector.broadcast %parallel_loop3A_288 : f32 to vector<16xf32>
        %parallel_loop3A_290 = arith.index_cast %parallel_loop3A_287 : i32 to index
        %parallel_loop3A_291 = tpu.vector_load %arg13[%parallel_loop3A_290] {strides = array<i32>} : memref<18432xf32, #tpu.memory_space<vmem>>, vector<16xf32>,
        tpu.vector_store %arg13[%parallel_loop3A_290], %parallel_loop3A_289 {strides = array<i32>} : memref<18432xf32, #tpu.memory_space<vmem>>, vector<16xf32>,
      } {sc.loop_unroll_factor = 8 : i64, sc.parallel_access}
      %mul3A_95 = arith.constant 4608 : i32
      %mul3A_96 = arith.muli %add3A_90, %mul3A_95 : i32
      %mul3A_97 = arith.constant 4608 : i32
      %mul3A_98 = arith.muli %add3A_90, %mul3A_97 : i32
      %dma_wait3A_99 = tpu.memref_slice %arg2[%mul3A_96] : memref<14155776xf32, #tpu.memory_space<hbm>> -> memref<4608xf32, #tpu.memory_space<hbm>>
      %dma_wait3A_100 = tpu.memref_slice %arg2[%mul3A_96] : memref<14155776xf32, #tpu.memory_space<hbm>> -> memref<4608xf32, #tpu.memory_space<hbm>>
      tpu.wait_dma2 semaphore(%arg17 : memref<!tpu.dma_semaphore, #tpu.memory_space<semaphore_mem>>) src(%dma_wait3A_100 : memref<4608xf32, #tpu.memory_space<hbm>>) dst(%arg5 : memref<4608xf32, #tpu.memory_space<vmem>>)
      %dma_wait3A_101 = tpu.memref_slice %arg3[%mul3A_98] : memref<14155776xi32, #tpu.memory_space<hbm>> -> memref<4608xi32, #tpu.memory_space<hbm>>
      %dma_wait3A_102 = tpu.memref_slice %arg3[%mul3A_98] : memref<14155776xi32, #tpu.memory_space<hbm>> -> memref<4608xi32, #tpu.memory_space<hbm>>
      tpu.wait_dma2 semaphore(%arg21 : memref<!tpu.dma_semaphore, #tpu.memory_space<semaphore_mem>>) src(%dma_wait3A_102 : memref<4608xi32, #tpu.memory_space<hbm>>) dst(%arg9 : memref<4608xi32, #tpu.memory_space<vmem>>)
      %jit3A = arith.constant 8 : i32
      %eq3A = arith.constant 0 : i32
      %eq3A_103 = arith.cmpi eq, %jit3A, %eq3A : i32
      %jit3A_104 = arith.constant 1 : i32
      %select_n3A = arith.select %eq3A_103, %jit3A_104, %jit3A : i32
      %rem3A = arith.remsi %add3A_90, %select_n3A : i32
      %ne3A = arith.constant 0 : i32
      %ne3A_105 = arith.cmpi ne, %rem3A, %ne3A : i32
      %lt3A = arith.constant 0 : i32
      %lt3A_106 = arith.cmpi slt, %rem3A, %lt3A : i32
      %lt3A_107 = arith.constant 0 : i32
      %lt3A_108 = arith.cmpi slt, %select_n3A, %lt3A_107 : i32
      %ne3A_109 = arith.xori %lt3A_106, %lt3A_108 : i1
      %and3A = arith.andi %ne3A_109, %ne3A_105 : i1
      %add3A_110 = arith.addi %rem3A, %select_n3A : i32
      %select_n3A_111 = arith.select %and3A, %add3A_110, %rem3A : i32
      %mul3A_112 = arith.constant 18432 : i32
      %mul3A_113 = arith.muli %select_n3A_111, %mul3A_112 : i32
      %parallel_loop3A_114 = arith.constant 0 : i32
      %parallel_loop3A_115 = arith.constant 4608 : i32
      %parallel_loop3A_116 = arith.constant 16 : i32
      scf.for %parallel_loop3A_287 = %parallel_loop3A_114 to %parallel_loop3A_115 step %parallel_loop3A_116  : i32 {
        %parallel_loop3A_288 = arith.index_cast %parallel_loop3A_287 : i32 to index
        %parallel_loop3A_289 = tpu.vector_load %arg5[%parallel_loop3A_288] {strides = array<i32>} : memref<4608xf32, #tpu.memory_space<vmem>>, vector<16xf32>,
        %parallel_loop3A_290 = arith.index_cast %parallel_loop3A_287 : i32 to index
        %parallel_loop3A_291 = tpu.vector_load %arg9[%parallel_loop3A_290] {strides = array<i32>} : memref<4608xi32, #tpu.memory_space<vmem>>, vector<16xi32>,
        %parallel_loop3A_292 = vector.broadcast %mul3A_113 : i32 to vector<16xi32>
        %parallel_loop3A_293 = arith.subi %parallel_loop3A_291, %parallel_loop3A_292 : vector<16xi32>
        tpu.vector_store_idx %arg13[%parallel_loop3A_293], %parallel_loop3A_289 : memref<18432xf32, #tpu.memory_space<vmem>>[vector<16xi32>], vector<16xf32>,
      } {sc.loop_unroll_factor = 4 : i64, sc.parallel_access}
      %mul3A_117 = arith.constant 18432 : i32
      %mul3A_118 = arith.muli %add3A_90, %mul3A_117 : i32
      %dma_start3A_119 = tpu.memref_slice %arg4[%mul3A_118] : memref<56623104xf32, #tpu.memory_space<hbm>> -> memref<18432xf32, #tpu.memory_space<hbm>>
      %dma_start3A_120 = tpu.memref_slice %arg4[%mul3A_118] : memref<56623104xf32, #tpu.memory_space<hbm>> -> memref<18432xf32, #tpu.memory_space<hbm>>
      tpu.enqueue_dma source(%arg13 : memref<18432xf32, #tpu.memory_space<vmem>>) target(%dma_start3A_120 : memref<18432xf32, #tpu.memory_space<hbm>>) target_semaphore(%arg25 : memref<!tpu.dma_semaphore, #tpu.memory_space<semaphore_mem>>)
      %add3A_121 = arith.constant 4 : i32
      %add3A_122 = arith.addi %add3A_89, %add3A_121 : i32
      %lt3A_123 = arith.constant 96 : i32
      %lt3A_124 = arith.cmpi slt, %add3A_122, %lt3A_123 : i32
      %convert_element_type3A_125 = arith.extui %lt3A_124 : i1 to i32
      %cond3A_126 = arith.constant 0 : i32
      %cond3A_127 = arith.cmpi ne, %convert_element_type3A_125, %cond3A_126 : i32
      scf.if %cond3A_127 {
        %add3A_287 = arith.constant 4 : i32
        %add3A_288 = arith.addi %add3A_90, %add3A_287 : i32
        %mul3A_289 = arith.constant 4608 : i32
        %mul3A_290 = arith.muli %add3A_288, %mul3A_289 : i32
        %mul3A_291 = arith.constant 4608 : i32
        %mul3A_292 = arith.muli %add3A_288, %mul3A_291 : i32
        %dma_start3A_293 = tpu.memref_slice %arg2[%mul3A_290] : memref<14155776xf32, #tpu.memory_space<hbm>> -> memref<4608xf32, #tpu.memory_space<hbm>>
        %dma_start3A_294 = tpu.memref_slice %arg2[%mul3A_290] : memref<14155776xf32, #tpu.memory_space<hbm>> -> memref<4608xf32, #tpu.memory_space<hbm>>
        tpu.enqueue_dma source(%dma_start3A_294 : memref<4608xf32, #tpu.memory_space<hbm>>) target(%arg5 : memref<4608xf32, #tpu.memory_space<vmem>>) target_semaphore(%arg17 : memref<!tpu.dma_semaphore, #tpu.memory_space<semaphore_mem>>)
        %dma_start3A_295 = tpu.memref_slice %arg3[%mul3A_292] : memref<14155776xi32, #tpu.memory_space<hbm>> -> memref<4608xi32, #tpu.memory_space<hbm>>
        %dma_start3A_296 = tpu.memref_slice %arg3[%mul3A_292] : memref<14155776xi32, #tpu.memory_space<hbm>> -> memref<4608xi32, #tpu.memory_space<hbm>>
        tpu.enqueue_dma source(%dma_start3A_296 : memref<4608xi32, #tpu.memory_space<hbm>>) target(%arg9 : memref<4608xi32, #tpu.memory_space<vmem>>) target_semaphore(%arg21 : memref<!tpu.dma_semaphore, #tpu.memory_space<semaphore_mem>>)
      } else {
      }
      %mul3A_128 = arith.constant 4 : i32
      %mul3A_129 = arith.muli %mul3A_128, %scan3A_85 : i32
      %add3A_130 = arith.constant 1 : i32
      %add3A_131 = arith.addi %mul3A_129, %add3A_130 : i32
      %add3A_132 = arith.addi %mul3A_2, %add3A_131 : i32
      %ge3A_133 = arith.constant 4 : i32
      %ge3A_134 = arith.cmpi sge, %add3A_131, %ge3A_133 : i32
      %convert_element_type3A_135 = arith.extui %ge3A_134 : i1 to i32
      %cond3A_136 = arith.constant 0 : i32
      %cond3A_137 = arith.cmpi ne, %convert_element_type3A_135, %cond3A_136 : i32
      scf.if %cond3A_137 {
        %sub3A_287 = arith.constant 4 : i32
        %sub3A_288 = arith.subi %add3A_132, %sub3A_287 : i32
        %mul3A_289 = arith.constant 18432 : i32
        %mul3A_290 = arith.muli %sub3A_288, %mul3A_289 : i32
        %dma_wait3A_291 = tpu.memref_slice %arg4[%mul3A_290] : memref<56623104xf32, #tpu.memory_space<hbm>> -> memref<18432xf32, #tpu.memory_space<hbm>>
        %dma_wait3A_292 = tpu.memref_slice %arg4[%mul3A_290] : memref<56623104xf32, #tpu.memory_space<hbm>> -> memref<18432xf32, #tpu.memory_space<hbm>>
        tpu.wait_dma2 semaphore(%arg26 : memref<!tpu.dma_semaphore, #tpu.memory_space<semaphore_mem>>) src(%arg14 : memref<18432xf32, #tpu.memory_space<vmem>>) dst(%dma_wait3A_292 : memref<18432xf32, #tpu.memory_space<hbm>>)
      } else {
      }
      %parallel_loop3A_138 = arith.constant 0 : i32
      %parallel_loop3A_139 = arith.constant 18432 : i32
      %parallel_loop3A_140 = arith.constant 16 : i32
      scf.for %parallel_loop3A_287 = %parallel_loop3A_138 to %parallel_loop3A_139 step %parallel_loop3A_140  : i32 {
        %parallel_loop3A_288 = arith.constant 0.000000e+00 : f32
        %parallel_loop3A_289 = vector.broadcast %parallel_loop3A_288 : f32 to vector<16xf32>
        %parallel_loop3A_290 = arith.index_cast %parallel_loop3A_287 : i32 to index
        %parallel_loop3A_291 = tpu.vector_load %arg14[%parallel_loop3A_290] {strides = array<i32>} : memref<18432xf32, #tpu.memory_space<vmem>>, vector<16xf32>,
        tpu.vector_store %arg14[%parallel_loop3A_290], %parallel_loop3A_289 {strides = array<i32>} : memref<18432xf32, #tpu.memory_space<vmem>>, vector<16xf32>,
      } {sc.loop_unroll_factor = 8 : i64, sc.parallel_access}
      %mul3A_141 = arith.constant 4608 : i32
      %mul3A_142 = arith.muli %add3A_132, %mul3A_141 : i32
      %mul3A_143 = arith.constant 4608 : i32
      %mul3A_144 = arith.muli %add3A_132, %mul3A_143 : i32
      %dma_wait3A_145 = tpu.memref_slice %arg2[%mul3A_142] : memref<14155776xf32, #tpu.memory_space<hbm>> -> memref<4608xf32, #tpu.memory_space<hbm>>
      %dma_wait3A_146 = tpu.memref_slice %arg2[%mul3A_142] : memref<14155776xf32, #tpu.memory_space<hbm>> -> memref<4608xf32, #tpu.memory_space<hbm>>
      tpu.wait_dma2 semaphore(%arg18 : memref<!tpu.dma_semaphore, #tpu.memory_space<semaphore_mem>>) src(%dma_wait3A_146 : memref<4608xf32, #tpu.memory_space<hbm>>) dst(%arg6 : memref<4608xf32, #tpu.memory_space<vmem>>)
      %dma_wait3A_147 = tpu.memref_slice %arg3[%mul3A_144] : memref<14155776xi32, #tpu.memory_space<hbm>> -> memref<4608xi32, #tpu.memory_space<hbm>>
      %dma_wait3A_148 = tpu.memref_slice %arg3[%mul3A_144] : memref<14155776xi32, #tpu.memory_space<hbm>> -> memref<4608xi32, #tpu.memory_space<hbm>>
      tpu.wait_dma2 semaphore(%arg22 : memref<!tpu.dma_semaphore, #tpu.memory_space<semaphore_mem>>) src(%dma_wait3A_148 : memref<4608xi32, #tpu.memory_space<hbm>>) dst(%arg10 : memref<4608xi32, #tpu.memory_space<vmem>>)
      %jit3A_149 = arith.constant 8 : i32
      %eq3A_150 = arith.constant 0 : i32
      %eq3A_151 = arith.cmpi eq, %jit3A_149, %eq3A_150 : i32
      %jit3A_152 = arith.constant 1 : i32
      %select_n3A_153 = arith.select %eq3A_151, %jit3A_152, %jit3A_149 : i32
      %rem3A_154 = arith.remsi %add3A_132, %select_n3A_153 : i32
      %ne3A_155 = arith.constant 0 : i32
      %ne3A_156 = arith.cmpi ne, %rem3A_154, %ne3A_155 : i32
      %lt3A_157 = arith.constant 0 : i32
      %lt3A_158 = arith.cmpi slt, %rem3A_154, %lt3A_157 : i32
      %lt3A_159 = arith.constant 0 : i32
      %lt3A_160 = arith.cmpi slt, %select_n3A_153, %lt3A_159 : i32
      %ne3A_161 = arith.xori %lt3A_158, %lt3A_160 : i1
      %and3A_162 = arith.andi %ne3A_161, %ne3A_156 : i1
      %add3A_163 = arith.addi %rem3A_154, %select_n3A_153 : i32
      %select_n3A_164 = arith.select %and3A_162, %add3A_163, %rem3A_154 : i32
      %mul3A_165 = arith.constant 18432 : i32
      %mul3A_166 = arith.muli %select_n3A_164, %mul3A_165 : i32
      %parallel_loop3A_167 = arith.constant 0 : i32
      %parallel_loop3A_168 = arith.constant 4608 : i32
      %parallel_loop3A_169 = arith.constant 16 : i32
      scf.for %parallel_loop3A_287 = %parallel_loop3A_167 to %parallel_loop3A_168 step %parallel_loop3A_169  : i32 {
        %parallel_loop3A_288 = arith.index_cast %parallel_loop3A_287 : i32 to index
        %parallel_loop3A_289 = tpu.vector_load %arg6[%parallel_loop3A_288] {strides = array<i32>} : memref<4608xf32, #tpu.memory_space<vmem>>, vector<16xf32>,
        %parallel_loop3A_290 = arith.index_cast %parallel_loop3A_287 : i32 to index
        %parallel_loop3A_291 = tpu.vector_load %arg10[%parallel_loop3A_290] {strides = array<i32>} : memref<4608xi32, #tpu.memory_space<vmem>>, vector<16xi32>,
        %parallel_loop3A_292 = vector.broadcast %mul3A_166 : i32 to vector<16xi32>
        %parallel_loop3A_293 = arith.subi %parallel_loop3A_291, %parallel_loop3A_292 : vector<16xi32>
        tpu.vector_store_idx %arg14[%parallel_loop3A_293], %parallel_loop3A_289 : memref<18432xf32, #tpu.memory_space<vmem>>[vector<16xi32>], vector<16xf32>,
      } {sc.loop_unroll_factor = 4 : i64, sc.parallel_access}
      %mul3A_170 = arith.constant 18432 : i32
      %mul3A_171 = arith.muli %add3A_132, %mul3A_170 : i32
      %dma_start3A_172 = tpu.memref_slice %arg4[%mul3A_171] : memref<56623104xf32, #tpu.memory_space<hbm>> -> memref<18432xf32, #tpu.memory_space<hbm>>
      %dma_start3A_173 = tpu.memref_slice %arg4[%mul3A_171] : memref<56623104xf32, #tpu.memory_space<hbm>> -> memref<18432xf32, #tpu.memory_space<hbm>>
      tpu.enqueue_dma source(%arg14 : memref<18432xf32, #tpu.memory_space<vmem>>) target(%dma_start3A_173 : memref<18432xf32, #tpu.memory_space<hbm>>) target_semaphore(%arg26 : memref<!tpu.dma_semaphore, #tpu.memory_space<semaphore_mem>>)
      %add3A_174 = arith.constant 4 : i32
      %add3A_175 = arith.addi %add3A_131, %add3A_174 : i32
      %lt3A_176 = arith.constant 96 : i32
      %lt3A_177 = arith.cmpi slt, %add3A_175, %lt3A_176 : i32
      %convert_element_type3A_178 = arith.extui %lt3A_177 : i1 to i32
      %cond3A_179 = arith.constant 0 : i32
      %cond3A_180 = arith.cmpi ne, %convert_element_type3A_178, %cond3A_179 : i32
      scf.if %cond3A_180 {
        %add3A_287 = arith.constant 4 : i32
        %add3A_288 = arith.addi %add3A_132, %add3A_287 : i32
        %mul3A_289 = arith.constant 4608 : i32
        %mul3A_290 = arith.muli %add3A_288, %mul3A_289 : i32
        %mul3A_291 = arith.constant 4608 : i32
        %mul3A_292 = arith.muli %add3A_288, %mul3A_291 : i32
        %dma_start3A_293 = tpu.memref_slice %arg2[%mul3A_290] : memref<14155776xf32, #tpu.memory_space<hbm>> -> memref<4608xf32, #tpu.memory_space<hbm>>
        %dma_start3A_294 = tpu.memref_slice %arg2[%mul3A_290] : memref<14155776xf32, #tpu.memory_space<hbm>> -> memref<4608xf32, #tpu.memory_space<hbm>>
        tpu.enqueue_dma source(%dma_start3A_294 : memref<4608xf32, #tpu.memory_space<hbm>>) target(%arg6 : memref<4608xf32, #tpu.memory_space<vmem>>) target_semaphore(%arg18 : memref<!tpu.dma_semaphore, #tpu.memory_space<semaphore_mem>>)
        %dma_start3A_295 = tpu.memref_slice %arg3[%mul3A_292] : memref<14155776xi32, #tpu.memory_space<hbm>> -> memref<4608xi32, #tpu.memory_space<hbm>>
        %dma_start3A_296 = tpu.memref_slice %arg3[%mul3A_292] : memref<14155776xi32, #tpu.memory_space<hbm>> -> memref<4608xi32, #tpu.memory_space<hbm>>
        tpu.enqueue_dma source(%dma_start3A_296 : memref<4608xi32, #tpu.memory_space<hbm>>) target(%arg10 : memref<4608xi32, #tpu.memory_space<vmem>>) target_semaphore(%arg22 : memref<!tpu.dma_semaphore, #tpu.memory_space<semaphore_mem>>)
      } else {
      }
      %mul3A_181 = arith.constant 4 : i32
      %mul3A_182 = arith.muli %mul3A_181, %scan3A_85 : i32
      %add3A_183 = arith.constant 2 : i32
      %add3A_184 = arith.addi %mul3A_182, %add3A_183 : i32
      %add3A_185 = arith.addi %mul3A_2, %add3A_184 : i32
      %ge3A_186 = arith.constant 4 : i32
      %ge3A_187 = arith.cmpi sge, %add3A_184, %ge3A_186 : i32
      %convert_element_type3A_188 = arith.extui %ge3A_187 : i1 to i32
      %cond3A_189 = arith.constant 0 : i32
      %cond3A_190 = arith.cmpi ne, %convert_element_type3A_188, %cond3A_189 : i32
      scf.if %cond3A_190 {
        %sub3A_287 = arith.constant 4 : i32
        %sub3A_288 = arith.subi %add3A_185, %sub3A_287 : i32
        %mul3A_289 = arith.constant 18432 : i32
        %mul3A_290 = arith.muli %sub3A_288, %mul3A_289 : i32
        %dma_wait3A_291 = tpu.memref_slice %arg4[%mul3A_290] : memref<56623104xf32, #tpu.memory_space<hbm>> -> memref<18432xf32, #tpu.memory_space<hbm>>
        %dma_wait3A_292 = tpu.memref_slice %arg4[%mul3A_290] : memref<56623104xf32, #tpu.memory_space<hbm>> -> memref<18432xf32, #tpu.memory_space<hbm>>
        tpu.wait_dma2 semaphore(%arg27 : memref<!tpu.dma_semaphore, #tpu.memory_space<semaphore_mem>>) src(%arg15 : memref<18432xf32, #tpu.memory_space<vmem>>) dst(%dma_wait3A_292 : memref<18432xf32, #tpu.memory_space<hbm>>)
      } else {
      }
      %parallel_loop3A_191 = arith.constant 0 : i32
      %parallel_loop3A_192 = arith.constant 18432 : i32
      %parallel_loop3A_193 = arith.constant 16 : i32
      scf.for %parallel_loop3A_287 = %parallel_loop3A_191 to %parallel_loop3A_192 step %parallel_loop3A_193  : i32 {
        %parallel_loop3A_288 = arith.constant 0.000000e+00 : f32
        %parallel_loop3A_289 = vector.broadcast %parallel_loop3A_288 : f32 to vector<16xf32>
        %parallel_loop3A_290 = arith.index_cast %parallel_loop3A_287 : i32 to index
        %parallel_loop3A_291 = tpu.vector_load %arg15[%parallel_loop3A_290] {strides = array<i32>} : memref<18432xf32, #tpu.memory_space<vmem>>, vector<16xf32>,
        tpu.vector_store %arg15[%parallel_loop3A_290], %parallel_loop3A_289 {strides = array<i32>} : memref<18432xf32, #tpu.memory_space<vmem>>, vector<16xf32>,
      } {sc.loop_unroll_factor = 8 : i64, sc.parallel_access}
      %mul3A_194 = arith.constant 4608 : i32
      %mul3A_195 = arith.muli %add3A_185, %mul3A_194 : i32
      %mul3A_196 = arith.constant 4608 : i32
      %mul3A_197 = arith.muli %add3A_185, %mul3A_196 : i32
      %dma_wait3A_198 = tpu.memref_slice %arg2[%mul3A_195] : memref<14155776xf32, #tpu.memory_space<hbm>> -> memref<4608xf32, #tpu.memory_space<hbm>>
      %dma_wait3A_199 = tpu.memref_slice %arg2[%mul3A_195] : memref<14155776xf32, #tpu.memory_space<hbm>> -> memref<4608xf32, #tpu.memory_space<hbm>>
      tpu.wait_dma2 semaphore(%arg19 : memref<!tpu.dma_semaphore, #tpu.memory_space<semaphore_mem>>) src(%dma_wait3A_199 : memref<4608xf32, #tpu.memory_space<hbm>>) dst(%arg7 : memref<4608xf32, #tpu.memory_space<vmem>>)
      %dma_wait3A_200 = tpu.memref_slice %arg3[%mul3A_197] : memref<14155776xi32, #tpu.memory_space<hbm>> -> memref<4608xi32, #tpu.memory_space<hbm>>
      %dma_wait3A_201 = tpu.memref_slice %arg3[%mul3A_197] : memref<14155776xi32, #tpu.memory_space<hbm>> -> memref<4608xi32, #tpu.memory_space<hbm>>
      tpu.wait_dma2 semaphore(%arg23 : memref<!tpu.dma_semaphore, #tpu.memory_space<semaphore_mem>>) src(%dma_wait3A_201 : memref<4608xi32, #tpu.memory_space<hbm>>) dst(%arg11 : memref<4608xi32, #tpu.memory_space<vmem>>)
      %jit3A_202 = arith.constant 8 : i32
      %eq3A_203 = arith.constant 0 : i32
      %eq3A_204 = arith.cmpi eq, %jit3A_202, %eq3A_203 : i32
      %jit3A_205 = arith.constant 1 : i32
      %select_n3A_206 = arith.select %eq3A_204, %jit3A_205, %jit3A_202 : i32
      %rem3A_207 = arith.remsi %add3A_185, %select_n3A_206 : i32
      %ne3A_208 = arith.constant 0 : i32
      %ne3A_209 = arith.cmpi ne, %rem3A_207, %ne3A_208 : i32
      %lt3A_210 = arith.constant 0 : i32
      %lt3A_211 = arith.cmpi slt, %rem3A_207, %lt3A_210 : i32
      %lt3A_212 = arith.constant 0 : i32
      %lt3A_213 = arith.cmpi slt, %select_n3A_206, %lt3A_212 : i32
      %ne3A_214 = arith.xori %lt3A_211, %lt3A_213 : i1
      %and3A_215 = arith.andi %ne3A_214, %ne3A_209 : i1
      %add3A_216 = arith.addi %rem3A_207, %select_n3A_206 : i32
      %select_n3A_217 = arith.select %and3A_215, %add3A_216, %rem3A_207 : i32
      %mul3A_218 = arith.constant 18432 : i32
      %mul3A_219 = arith.muli %select_n3A_217, %mul3A_218 : i32
      %parallel_loop3A_220 = arith.constant 0 : i32
      %parallel_loop3A_221 = arith.constant 4608 : i32
      %parallel_loop3A_222 = arith.constant 16 : i32
      scf.for %parallel_loop3A_287 = %parallel_loop3A_220 to %parallel_loop3A_221 step %parallel_loop3A_222  : i32 {
        %parallel_loop3A_288 = arith.index_cast %parallel_loop3A_287 : i32 to index
        %parallel_loop3A_289 = tpu.vector_load %arg7[%parallel_loop3A_288] {strides = array<i32>} : memref<4608xf32, #tpu.memory_space<vmem>>, vector<16xf32>,
        %parallel_loop3A_290 = arith.index_cast %parallel_loop3A_287 : i32 to index
        %parallel_loop3A_291 = tpu.vector_load %arg11[%parallel_loop3A_290] {strides = array<i32>} : memref<4608xi32, #tpu.memory_space<vmem>>, vector<16xi32>,
        %parallel_loop3A_292 = vector.broadcast %mul3A_219 : i32 to vector<16xi32>
        %parallel_loop3A_293 = arith.subi %parallel_loop3A_291, %parallel_loop3A_292 : vector<16xi32>
        tpu.vector_store_idx %arg15[%parallel_loop3A_293], %parallel_loop3A_289 : memref<18432xf32, #tpu.memory_space<vmem>>[vector<16xi32>], vector<16xf32>,
      } {sc.loop_unroll_factor = 4 : i64, sc.parallel_access}
      %mul3A_223 = arith.constant 18432 : i32
      %mul3A_224 = arith.muli %add3A_185, %mul3A_223 : i32
      %dma_start3A_225 = tpu.memref_slice %arg4[%mul3A_224] : memref<56623104xf32, #tpu.memory_space<hbm>> -> memref<18432xf32, #tpu.memory_space<hbm>>
      %dma_start3A_226 = tpu.memref_slice %arg4[%mul3A_224] : memref<56623104xf32, #tpu.memory_space<hbm>> -> memref<18432xf32, #tpu.memory_space<hbm>>
      tpu.enqueue_dma source(%arg15 : memref<18432xf32, #tpu.memory_space<vmem>>) target(%dma_start3A_226 : memref<18432xf32, #tpu.memory_space<hbm>>) target_semaphore(%arg27 : memref<!tpu.dma_semaphore, #tpu.memory_space<semaphore_mem>>)
      %add3A_227 = arith.constant 4 : i32
      %add3A_228 = arith.addi %add3A_184, %add3A_227 : i32
      %lt3A_229 = arith.constant 96 : i32
      %lt3A_230 = arith.cmpi slt, %add3A_228, %lt3A_229 : i32
      %convert_element_type3A_231 = arith.extui %lt3A_230 : i1 to i32
      %cond3A_232 = arith.constant 0 : i32
      %cond3A_233 = arith.cmpi ne, %convert_element_type3A_231, %cond3A_232 : i32
      scf.if %cond3A_233 {
        %add3A_287 = arith.constant 4 : i32
        %add3A_288 = arith.addi %add3A_185, %add3A_287 : i32
        %mul3A_289 = arith.constant 4608 : i32
        %mul3A_290 = arith.muli %add3A_288, %mul3A_289 : i32
        %mul3A_291 = arith.constant 4608 : i32
        %mul3A_292 = arith.muli %add3A_288, %mul3A_291 : i32
        %dma_start3A_293 = tpu.memref_slice %arg2[%mul3A_290] : memref<14155776xf32, #tpu.memory_space<hbm>> -> memref<4608xf32, #tpu.memory_space<hbm>>
        %dma_start3A_294 = tpu.memref_slice %arg2[%mul3A_290] : memref<14155776xf32, #tpu.memory_space<hbm>> -> memref<4608xf32, #tpu.memory_space<hbm>>
        tpu.enqueue_dma source(%dma_start3A_294 : memref<4608xf32, #tpu.memory_space<hbm>>) target(%arg7 : memref<4608xf32, #tpu.memory_space<vmem>>) target_semaphore(%arg19 : memref<!tpu.dma_semaphore, #tpu.memory_space<semaphore_mem>>)
        %dma_start3A_295 = tpu.memref_slice %arg3[%mul3A_292] : memref<14155776xi32, #tpu.memory_space<hbm>> -> memref<4608xi32, #tpu.memory_space<hbm>>
        %dma_start3A_296 = tpu.memref_slice %arg3[%mul3A_292] : memref<14155776xi32, #tpu.memory_space<hbm>> -> memref<4608xi32, #tpu.memory_space<hbm>>
        tpu.enqueue_dma source(%dma_start3A_296 : memref<4608xi32, #tpu.memory_space<hbm>>) target(%arg11 : memref<4608xi32, #tpu.memory_space<vmem>>) target_semaphore(%arg23 : memref<!tpu.dma_semaphore, #tpu.memory_space<semaphore_mem>>)
      } else {
      }
      %mul3A_234 = arith.constant 4 : i32
      %mul3A_235 = arith.muli %mul3A_234, %scan3A_85 : i32
      %add3A_236 = arith.constant 3 : i32
      %add3A_237 = arith.addi %mul3A_235, %add3A_236 : i32
      %add3A_238 = arith.addi %mul3A_2, %add3A_237 : i32
      %ge3A_239 = arith.constant 4 : i32
      %ge3A_240 = arith.cmpi sge, %add3A_237, %ge3A_239 : i32
      %convert_element_type3A_241 = arith.extui %ge3A_240 : i1 to i32
      %cond3A_242 = arith.constant 0 : i32
      %cond3A_243 = arith.cmpi ne, %convert_element_type3A_241, %cond3A_242 : i32
      scf.if %cond3A_243 {
        %sub3A_287 = arith.constant 4 : i32
        %sub3A_288 = arith.subi %add3A_238, %sub3A_287 : i32
        %mul3A_289 = arith.constant 18432 : i32
        %mul3A_290 = arith.muli %sub3A_288, %mul3A_289 : i32
        %dma_wait3A_291 = tpu.memref_slice %arg4[%mul3A_290] : memref<56623104xf32, #tpu.memory_space<hbm>> -> memref<18432xf32, #tpu.memory_space<hbm>>
        %dma_wait3A_292 = tpu.memref_slice %arg4[%mul3A_290] : memref<56623104xf32, #tpu.memory_space<hbm>> -> memref<18432xf32, #tpu.memory_space<hbm>>
        tpu.wait_dma2 semaphore(%arg28 : memref<!tpu.dma_semaphore, #tpu.memory_space<semaphore_mem>>) src(%arg16 : memref<18432xf32, #tpu.memory_space<vmem>>) dst(%dma_wait3A_292 : memref<18432xf32, #tpu.memory_space<hbm>>)
      } else {
      }
      %parallel_loop3A_244 = arith.constant 0 : i32
      %parallel_loop3A_245 = arith.constant 18432 : i32
      %parallel_loop3A_246 = arith.constant 16 : i32
      scf.for %parallel_loop3A_287 = %parallel_loop3A_244 to %parallel_loop3A_245 step %parallel_loop3A_246  : i32 {
        %parallel_loop3A_288 = arith.constant 0.000000e+00 : f32
        %parallel_loop3A_289 = vector.broadcast %parallel_loop3A_288 : f32 to vector<16xf32>
        %parallel_loop3A_290 = arith.index_cast %parallel_loop3A_287 : i32 to index
        %parallel_loop3A_291 = tpu.vector_load %arg16[%parallel_loop3A_290] {strides = array<i32>} : memref<18432xf32, #tpu.memory_space<vmem>>, vector<16xf32>,
        tpu.vector_store %arg16[%parallel_loop3A_290], %parallel_loop3A_289 {strides = array<i32>} : memref<18432xf32, #tpu.memory_space<vmem>>, vector<16xf32>,
      } {sc.loop_unroll_factor = 8 : i64, sc.parallel_access}
      %mul3A_247 = arith.constant 4608 : i32
      %mul3A_248 = arith.muli %add3A_238, %mul3A_247 : i32
      %mul3A_249 = arith.constant 4608 : i32
      %mul3A_250 = arith.muli %add3A_238, %mul3A_249 : i32
      %dma_wait3A_251 = tpu.memref_slice %arg2[%mul3A_248] : memref<14155776xf32, #tpu.memory_space<hbm>> -> memref<4608xf32, #tpu.memory_space<hbm>>
      %dma_wait3A_252 = tpu.memref_slice %arg2[%mul3A_248] : memref<14155776xf32, #tpu.memory_space<hbm>> -> memref<4608xf32, #tpu.memory_space<hbm>>
      tpu.wait_dma2 semaphore(%arg20 : memref<!tpu.dma_semaphore, #tpu.memory_space<semaphore_mem>>) src(%dma_wait3A_252 : memref<4608xf32, #tpu.memory_space<hbm>>) dst(%arg8 : memref<4608xf32, #tpu.memory_space<vmem>>)
      %dma_wait3A_253 = tpu.memref_slice %arg3[%mul3A_250] : memref<14155776xi32, #tpu.memory_space<hbm>> -> memref<4608xi32, #tpu.memory_space<hbm>>
      %dma_wait3A_254 = tpu.memref_slice %arg3[%mul3A_250] : memref<14155776xi32, #tpu.memory_space<hbm>> -> memref<4608xi32, #tpu.memory_space<hbm>>
      tpu.wait_dma2 semaphore(%arg24 : memref<!tpu.dma_semaphore, #tpu.memory_space<semaphore_mem>>) src(%dma_wait3A_254 : memref<4608xi32, #tpu.memory_space<hbm>>) dst(%arg12 : memref<4608xi32, #tpu.memory_space<vmem>>)
      %jit3A_255 = arith.constant 8 : i32
      %eq3A_256 = arith.constant 0 : i32
      %eq3A_257 = arith.cmpi eq, %jit3A_255, %eq3A_256 : i32
      %jit3A_258 = arith.constant 1 : i32
      %select_n3A_259 = arith.select %eq3A_257, %jit3A_258, %jit3A_255 : i32
      %rem3A_260 = arith.remsi %add3A_238, %select_n3A_259 : i32
      %ne3A_261 = arith.constant 0 : i32
      %ne3A_262 = arith.cmpi ne, %rem3A_260, %ne3A_261 : i32
      %lt3A_263 = arith.constant 0 : i32
      %lt3A_264 = arith.cmpi slt, %rem3A_260, %lt3A_263 : i32
      %lt3A_265 = arith.constant 0 : i32
      %lt3A_266 = arith.cmpi slt, %select_n3A_259, %lt3A_265 : i32
      %ne3A_267 = arith.xori %lt3A_264, %lt3A_266 : i1
      %and3A_268 = arith.andi %ne3A_267, %ne3A_262 : i1
      %add3A_269 = arith.addi %rem3A_260, %select_n3A_259 : i32
      %select_n3A_270 = arith.select %and3A_268, %add3A_269, %rem3A_260 : i32
      %mul3A_271 = arith.constant 18432 : i32
      %mul3A_272 = arith.muli %select_n3A_270, %mul3A_271 : i32
      %parallel_loop3A_273 = arith.constant 0 : i32
      %parallel_loop3A_274 = arith.constant 4608 : i32
      %parallel_loop3A_275 = arith.constant 16 : i32
      scf.for %parallel_loop3A_287 = %parallel_loop3A_273 to %parallel_loop3A_274 step %parallel_loop3A_275  : i32 {
        %parallel_loop3A_288 = arith.index_cast %parallel_loop3A_287 : i32 to index
        %parallel_loop3A_289 = tpu.vector_load %arg8[%parallel_loop3A_288] {strides = array<i32>} : memref<4608xf32, #tpu.memory_space<vmem>>, vector<16xf32>,
        %parallel_loop3A_290 = arith.index_cast %parallel_loop3A_287 : i32 to index
        %parallel_loop3A_291 = tpu.vector_load %arg12[%parallel_loop3A_290] {strides = array<i32>} : memref<4608xi32, #tpu.memory_space<vmem>>, vector<16xi32>,
        %parallel_loop3A_292 = vector.broadcast %mul3A_272 : i32 to vector<16xi32>
        %parallel_loop3A_293 = arith.subi %parallel_loop3A_291, %parallel_loop3A_292 : vector<16xi32>
        tpu.vector_store_idx %arg16[%parallel_loop3A_293], %parallel_loop3A_289 : memref<18432xf32, #tpu.memory_space<vmem>>[vector<16xi32>], vector<16xf32>,
      } {sc.loop_unroll_factor = 4 : i64, sc.parallel_access}
      %mul3A_276 = arith.constant 18432 : i32
      %mul3A_277 = arith.muli %add3A_238, %mul3A_276 : i32
      %dma_start3A_278 = tpu.memref_slice %arg4[%mul3A_277] : memref<56623104xf32, #tpu.memory_space<hbm>> -> memref<18432xf32, #tpu.memory_space<hbm>>
      %dma_start3A_279 = tpu.memref_slice %arg4[%mul3A_277] : memref<56623104xf32, #tpu.memory_space<hbm>> -> memref<18432xf32, #tpu.memory_space<hbm>>
      tpu.enqueue_dma source(%arg16 : memref<18432xf32, #tpu.memory_space<vmem>>) target(%dma_start3A_279 : memref<18432xf32, #tpu.memory_space<hbm>>) target_semaphore(%arg28 : memref<!tpu.dma_semaphore, #tpu.memory_space<semaphore_mem>>)
      %add3A_280 = arith.constant 4 : i32
      %add3A_281 = arith.addi %add3A_237, %add3A_280 : i32
      %lt3A_282 = arith.constant 96 : i32
      %lt3A_283 = arith.cmpi slt, %add3A_281, %lt3A_282 : i32
      %convert_element_type3A_284 = arith.extui %lt3A_283 : i1 to i32
      %cond3A_285 = arith.constant 0 : i32
      %cond3A_286 = arith.cmpi ne, %convert_element_type3A_284, %cond3A_285 : i32
      scf.if %cond3A_286 {
        %add3A_287 = arith.constant 4 : i32
        %add3A_288 = arith.addi %add3A_238, %add3A_287 : i32
        %mul3A_289 = arith.constant 4608 : i32
        %mul3A_290 = arith.muli %add3A_288, %mul3A_289 : i32
        %mul3A_291 = arith.constant 4608 : i32
        %mul3A_292 = arith.muli %add3A_288, %mul3A_291 : i32
        %dma_start3A_293 = tpu.memref_slice %arg2[%mul3A_290] : memref<14155776xf32, #tpu.memory_space<hbm>> -> memref<4608xf32, #tpu.memory_space<hbm>>
        %dma_start3A_294 = tpu.memref_slice %arg2[%mul3A_290] : memref<14155776xf32, #tpu.memory_space<hbm>> -> memref<4608xf32, #tpu.memory_space<hbm>>
        tpu.enqueue_dma source(%dma_start3A_294 : memref<4608xf32, #tpu.memory_space<hbm>>) target(%arg8 : memref<4608xf32, #tpu.memory_space<vmem>>) target_semaphore(%arg20 : memref<!tpu.dma_semaphore, #tpu.memory_space<semaphore_mem>>)
        %dma_start3A_295 = tpu.memref_slice %arg3[%mul3A_292] : memref<14155776xi32, #tpu.memory_space<hbm>> -> memref<4608xi32, #tpu.memory_space<hbm>>
        %dma_start3A_296 = tpu.memref_slice %arg3[%mul3A_292] : memref<14155776xi32, #tpu.memory_space<hbm>> -> memref<4608xi32, #tpu.memory_space<hbm>>
        tpu.enqueue_dma source(%dma_start3A_296 : memref<4608xi32, #tpu.memory_space<hbm>>) target(%arg12 : memref<4608xi32, #tpu.memory_space<vmem>>) target_semaphore(%arg24 : memref<!tpu.dma_semaphore, #tpu.memory_space<semaphore_mem>>)
      } else {
      }
    }
    %scan3A_46 = arith.constant 24 : i32
    %add3A_47 = arith.constant 96 : i32
    %add3A_48 = arith.addi %mul3A_2, %add3A_47 : i32
    %sub3A = arith.constant 4 : i32
    %sub3A_49 = arith.subi %add3A_48, %sub3A : i32
    %add3A_50 = arith.constant 0 : i32
    %add3A_51 = arith.addi %sub3A_49, %add3A_50 : i32
    %mul3A_52 = arith.constant 18432 : i32
    %mul3A_53 = arith.muli %add3A_51, %mul3A_52 : i32
    %dma_wait3A = tpu.memref_slice %arg4[%mul3A_53] : memref<56623104xf32, #tpu.memory_space<hbm>> -> memref<18432xf32, #tpu.memory_space<hbm>>
    %dma_wait3A_54 = tpu.memref_slice %arg4[%mul3A_53] : memref<56623104xf32, #tpu.memory_space<hbm>> -> memref<18432xf32, #tpu.memory_space<hbm>>
    tpu.wait_dma2 semaphore(%arg25 : memref<!tpu.dma_semaphore, #tpu.memory_space<semaphore_mem>>) src(%arg13 : memref<18432xf32, #tpu.memory_space<vmem>>) dst(%dma_wait3A_54 : memref<18432xf32, #tpu.memory_space<hbm>>)
    %add3A_55 = arith.constant 96 : i32
    %add3A_56 = arith.addi %mul3A_2, %add3A_55 : i32
    %sub3A_57 = arith.constant 4 : i32
    %sub3A_58 = arith.subi %add3A_56, %sub3A_57 : i32
    %add3A_59 = arith.constant 1 : i32
    %add3A_60 = arith.addi %sub3A_58, %add3A_59 : i32
    %mul3A_61 = arith.constant 18432 : i32
    %mul3A_62 = arith.muli %add3A_60, %mul3A_61 : i32
    %dma_wait3A_63 = tpu.memref_slice %arg4[%mul3A_62] : memref<56623104xf32, #tpu.memory_space<hbm>> -> memref<18432xf32, #tpu.memory_space<hbm>>
    %dma_wait3A_64 = tpu.memref_slice %arg4[%mul3A_62] : memref<56623104xf32, #tpu.memory_space<hbm>> -> memref<18432xf32, #tpu.memory_space<hbm>>
    tpu.wait_dma2 semaphore(%arg26 : memref<!tpu.dma_semaphore, #tpu.memory_space<semaphore_mem>>) src(%arg14 : memref<18432xf32, #tpu.memory_space<vmem>>) dst(%dma_wait3A_64 : memref<18432xf32, #tpu.memory_space<hbm>>)
    %add3A_65 = arith.constant 96 : i32
    %add3A_66 = arith.addi %mul3A_2, %add3A_65 : i32
    %sub3A_67 = arith.constant 4 : i32
    %sub3A_68 = arith.subi %add3A_66, %sub3A_67 : i32
    %add3A_69 = arith.constant 2 : i32
    %add3A_70 = arith.addi %sub3A_68, %add3A_69 : i32
    %mul3A_71 = arith.constant 18432 : i32
    %mul3A_72 = arith.muli %add3A_70, %mul3A_71 : i32
    %dma_wait3A_73 = tpu.memref_slice %arg4[%mul3A_72] : memref<56623104xf32, #tpu.memory_space<hbm>> -> memref<18432xf32, #tpu.memory_space<hbm>>
    %dma_wait3A_74 = tpu.memref_slice %arg4[%mul3A_72] : memref<56623104xf32, #tpu.memory_space<hbm>> -> memref<18432xf32, #tpu.memory_space<hbm>>
    tpu.wait_dma2 semaphore(%arg27 : memref<!tpu.dma_semaphore, #tpu.memory_space<semaphore_mem>>) src(%arg15 : memref<18432xf32, #tpu.memory_space<vmem>>) dst(%dma_wait3A_74 : memref<18432xf32, #tpu.memory_space<hbm>>)
    %add3A_75 = arith.constant 96 : i32
    %add3A_76 = arith.addi %mul3A_2, %add3A_75 : i32
    %sub3A_77 = arith.constant 4 : i32
    %sub3A_78 = arith.subi %add3A_76, %sub3A_77 : i32
    %add3A_79 = arith.constant 3 : i32
    %add3A_80 = arith.addi %sub3A_78, %add3A_79 : i32
    %mul3A_81 = arith.constant 18432 : i32
    %mul3A_82 = arith.muli %add3A_80, %mul3A_81 : i32
    %dma_wait3A_83 = tpu.memref_slice %arg4[%mul3A_82] : memref<56623104xf32, #tpu.memory_space<hbm>> -> memref<18432xf32, #tpu.memory_space<hbm>>
    %dma_wait3A_84 = tpu.memref_slice %arg4[%mul3A_82] : memref<56623104xf32, #tpu.memory_space<hbm>> -> memref<18432xf32, #tpu.memory_space<hbm>>
    tpu.wait_dma2 semaphore(%arg28 : memref<!tpu.dma_semaphore, #tpu.memory_space<semaphore_mem>>) src(%arg16 : memref<18432xf32, #tpu.memory_space<vmem>>) dst(%dma_wait3A_84 : memref<18432xf32, #tpu.memory_space<hbm>>)
    return
  }
}

</mosaic_0001>

<sc_bundles>
// kernel: kernel.3.cloned.1.call-start
scs
__scs_entry_jumppad:
0x0: {  	(pc) =	sbr.rel $0x88, $3  }
0x1: {  	(tag) =	ssettag $0x0;
	lr =	simm.s32 $0x1  }
0x2: {  	[smem:$0x3F9F] =	sst lr;
	_ =	strace $0xD0000000  }
0x3: {  	_ = 	snop  }
0x4: {  	_ = 	snop  }
0x5: {  	_ = 	snop  }
0x6: {  	_ = 	snop  }
0x7: {  	_ = 	snop  }
__scs_overlays_trampoline_lowered:
0x8: {  	[smem:$0x3FAE] =	sst s0  }
0x9: {  	[smem:$0x3FAF] =	sst s1  }
0xa: {  	[smem:$0x3FB0] =	sst s2  }
0xb: {  	[smem:$0x3FB1] =	sst s3  }
0xc: {  	[smem:$0x3FB2] =	sst s4  }
0xd: {  	[smem:$0x3FB3] =	sst s5  }
0xe: {  	[smem:$0x3FB4] =	sst s6  }
0xf: {  	[smem:$0x3FB5] =	sst s7  }
0x10: {  	[smem:$0x3FB6] =	sst s8  }
0x11: {  	[smem:$0x3FB7] =	sst s9;
	s0 =	simm.s32 @!p0 $0x0  }
0x12: {  	s1 =	sld [smem:$0x3F9D];
	s0 =	simm.s32 @p0 $0x1  }
0x13: {  	[smem:$0x3FB8] =	sst s0;
	s0 =	simm.s32 @!p1 $0x0  }
0x14: {  	s2 =	sld [smem:$0x3F9C];
	s0 =	simm.s32 @p1 $0x1  }
0x15: {  	[smem:$0x3FB9] =	sst s0;
	s0 =	simm.s32 @!p2 $0x0  }
0x16: {  	s3 =	sld [smem:$0x3FDB];
	s0 =	simm.s32 @p2 $0x1  }
0x17: {  	s4 =	simm.s32 $0x1BF5;
	[smem:$0x3FBB] =	sst s0  }
0x18: {  	s0 =	sld [smem:$0x3F9E];
	_ =	swait.ge [sflag:s4], $0x0  }
0x19: {  	s7 =	sld [smem:$0x3F9F]  }
0x1a: {  	s8 =	sadd.s32 $0xFFFFE003, lr  }
0x1b: {  	s9 =	sadd.s32 $0xFFFFFEF7, lr;
	s5 =	simm.s32 $0xFFFFFFFF;
	p2 =	slt.u32 s8, $0xFFFFF086  }
0x1c: {  	p1 =	slt.u32 s9, $0xF7A;
	s5 =	simm.s32 @!p2 $0x0  }
0x1d: {  	s5 =	simm.s32 @p1 $0x1;
	p0 =	seq.s32 s7, s2  }
0x1e: {  	s7 =	smul.u32 @!p0 $0xF7A, s2;
	p2 =	seq.s32 @!p0 s5, $0x0  }
0x1f: {  	s9 =	smul.u32 $0xF7A, s1;
	s8 =	simm.s32 @!p0 $0x1BF5;
	p2 =	por !p2, p0  }
0x20: {  	[sflag:s8] =	ssyncset.s32 @!p0 $0xFFFFF086;
	s6 =	sadd.s32 @!p0 s3, s7;
	s7 =	simm.s32 @!p0 $0x108  }
0x21: {  	s3 =	sadd.s32 s3, s9;
	s6 =	sadd.s32 @!p0 $0x88, s6;
	s7 =	simm.s32 @p2 $0x1082  }
0x22: {  	[simem:s7], [sflag:s8] =	dma.local @!p0 [hbm:s6], $0xF7A  }
0x23: {  	s9 =	sor.u32 $0xD0000000, s2;
	s6 =	simm.s32 $0x108;
	_ =	swait.ge @!p0 [sflag:s8], $0x0  }
0x24: {  	s3 =	sadd.s32 $0x88, s3;
	s6 =	simm.s32 @!p1 $0x1082;
	[sflag:s4] =	ssyncset.s32 $0xFFFFF086  }
0x25: {  	[simem:s6], [sflag:s4] =	dma.local [hbm:s3], $0xF7A  }
0x26: {  	[smem:$0x3F9F] =	sst s1;
	(tag) =	ssettag s2;
	_ =	strace s9  }
0x27: {  	s1 =	sld [smem:$0x3FAF]  }
0x28: {  	s2 =	sld [smem:$0x3FB0]  }
0x29: {  	s4 =	sld [smem:$0x3FB2]  }
0x2a: {  	p0 =	seq.s32 s5, $0x0;
	s5 =	sld [smem:$0x3FB3]  }
0x2b: {  	s6 =	sld [smem:$0x3FB4]  }
0x2c: {  	s7 =	sld [smem:$0x3FB5]  }
0x2d: {  	s3 =	simm.s32 $0x108;
	s8 =	sld [smem:$0x3FB6]  }
0x2e: {  	s3 =	simm.s32 @!p0 $0x1082;
	s9 =	sld [smem:$0x3FB7]  }
0x2f: {  	lr =	sadd.s32 s0, s3;
	s0 =	sld [smem:$0x3FAE]  }
0x30: {  	s3 =	sld [smem:$0x3FB1]  }
0x31: {  	[smem:$0x3FBA] =	sst s10  }
0x32: {  	s10 =	sld [smem:$0x3FB8];
	_ =	sdelay $0x3  }
0x33: {  	p0 =	seq.s32 s10, $0x1;
	s10 =	sld [smem:$0x3FBA];
	_ =	sdelay $0x3  }
0x34: {  	[smem:$0x3FBA] =	sst s10  }
0x35: {  	s10 =	sld [smem:$0x3FB9];
	_ =	sdelay $0x3  }
0x36: {  	p1 =	seq.s32 s10, $0x1;
	s10 =	sld [smem:$0x3FBA];
	_ =	sdelay $0x3  }
0x37: {  	[smem:$0x3FBA] =	sst s10  }
0x38: {  	s10 =	sld [smem:$0x3FBB]  }
0x39: {  	_ = 	snop;
	(pc) =	sbr.ind lr, $3  }
0x3a: {  	_ = 	snop  }
0x3b: {  	_ = 	snop  }
0x3c: {  	p2 =	seq.s32 s10, $0x1;
	s10 =	sld [smem:$0x3FBA]  }
0x3d: {  	_ =	shalt  }
0x3e: {  	_ =	shalt  }
0x3f: {  	_ =	shalt  }
0x40: {  	_ =	shalt  }
0x41: {  	_ =	shalt  }
0x42: {  	_ =	shalt  }
0x43: {  	_ =	shalt  }
0x44: {  	_ =	shalt  }
0x45: {  	_ =	shalt  }
0x46: {  	_ =	shalt  }
0x47: {  	_ =	shalt  }
0x48: {  	_ =	shalt  }
0x49: {  	_ =	shalt  }
0x4a: {  	_ =	shalt  }
0x4b: {  	_ =	shalt  }
0x4c: {  	_ =	shalt  }
0x4d: {  	_ =	shalt  }
0x4e: {  	_ =	shalt  }
0x4f: {  	_ =	shalt  }
0x50: {  	_ =	shalt  }
0x51: {  	_ =	shalt  }
0x52: {  	_ =	shalt  }
0x53: {  	_ =	shalt  }
0x54: {  	_ =	shalt  }
0x55: {  	_ =	shalt  }
0x56: {  	_ =	shalt  }
0x57: {  	_ =	shalt  }
0x58: {  	_ =	shalt  }
0x59: {  	_ =	shalt  }
0x5a: {  	_ =	shalt  }
0x5b: {  	_ =	shalt  }
0x5c: {  	_ =	shalt  }
0x5d: {  	_ =	shalt  }
0x5e: {  	_ =	shalt  }
0x5f: {  	_ =	shalt  }
0x60: {  	_ =	shalt  }
0x61: {  	_ =	shalt  }
0x62: {  	_ =	shalt  }
0x63: {  	_ =	shalt  }
0x64: {  	_ =	shalt  }
0x65: {  	_ =	shalt  }
0x66: {  	_ =	shalt  }
0x67: {  	_ =	shalt  }
0x68: {  	_ =	shalt  }
0x69: {  	_ =	shalt  }
0x6a: {  	_ =	shalt  }
0x6b: {  	_ =	shalt  }
0x6c: {  	_ =	shalt  }
0x6d: {  	_ =	shalt  }
0x6e: {  	_ =	shalt  }
0x6f: {  	_ =	shalt  }
0x70: {  	_ =	shalt  }
0x71: {  	_ =	shalt  }
0x72: {  	_ =	shalt  }
0x73: {  	_ =	shalt  }
0x74: {  	_ =	shalt  }
0x75: {  	_ =	shalt  }
0x76: {  	_ =	shalt  }
0x77: {  	_ =	shalt  }
0x78: {  	_ =	shalt  }
0x79: {  	_ =	shalt  }
0x7a: {  	_ =	shalt  }
0x7b: {  	_ =	shalt  }
0x7c: {  	_ =	shalt  }
0x7d: {  	_ =	shalt  }
0x7e: {  	_ =	shalt  }
0x7f: {  	_ =	shalt  }
0x80: {  	_ =	shalt  }
0x81: {  	_ =	shalt  }
0x82: {  	_ =	shalt  }
0x83: {  	_ =	shalt  }
0x84: {  	_ =	shalt  }
0x85: {  	_ =	shalt  }
0x86: {  	_ =	shalt  }
0x87: {  	_ =	shalt  }
.Lfunc_end0:
.L_simem_size_0:
called_computation_lowered:
.L_overlay_start_0:
0x88: {  	s2 =	sld [smem:$0x3FD9]  }
0x89: {  	s3 =	sld [smem:$0x3FFE];
	_ =	sdelay $0x1  }
0x8a: {  	s1 =	srdreg.scid  }
0x8b: {  	s0 =	sand.u32 $0x1, s1  }
0x8c: {  	s17 =	sshll.u32 s0, $0xA;
	s2 =	sadd.s32 s3, s2  }
0x8d: {  	s2 =	sadd.s32 s2, s17  }
0x8e: {  	[smem:$0x3FC6] =	sst s2  }
0x8f: {  	_ = 	snop  }
0x90: {  	s2 =	sld [smem:$0x3FD0];
	(tm) =	ssettm $0x1  }
0x91: {  	s18 =	sld [smem:$0x3FFB];
	_ =	sdelay $0x3  }
0x92: {  	_ =	strace s18  }
0x93: {  	s3 =	sld [smem:$0x3FFC];
	_ =	sdelay $0x3  }
0x94: {  	_ =	strace s3  }
0x95: {  	s3 =	sld [smem:$0x3FFD];
	_ =	sdelay $0x3  }
0x96: {  	_ =	strace s3  }
0x97: {  	_ =	strace $0x8FFFFFFF  }
0x98: {  	s19 =	sld [smem:$0x3FDB];
	_ =	sdelay $0x1  }
0x99: {  	s4 =	simm.s32 $_scs_section_size  }
0x9a: {  	s5 =	simm.s32 $_size__tile_overlayer_lowered;
	s6 =	simm.s32 $_tile_overlayer_lowered  }
0x9b: {  	s22 =	simm.s32 $0x1BFF;
	s21 =	sshll.u32 s6, $0x1;
	s3 =	sadd.s32 s4, s19  }
0x9c: {  	s7 =	simm.s32 $0x0;
	s20 =	sshll.u32 s5, $0x1;
	s5 =	sadd.s32 s21, s3  }
0x9d: {  	[timem:s7], [sflag:s22] =	dma.local [hbm:s5], s20  }
0x9e: {  	_ =	swait.ge [sflag:s22], s20  }
0x9f: {  	s4 =	ssub.s32 $0x0, s20;
	[sflag:s22] =	ssyncset.done $0x0  }
0xa0: {  	[sflag:s22] =	ssyncadd.s32 s4;
	_ =	sdelay $0x1  }
0xa1: {  	s23 =	simm.s32 $0x1B8B  }
0xa2: {  	_ =	swait.ge [sflag:s23], $0x1  }
0xa3: {  	[sflag:s23] =	ssyncset.done $0x0  }
0xa4: {  	s25 =	simm.s32 $0x1B8E;
	s24 =	sld [smem:$0x3FFE];
	[sflag:s23] =	ssyncadd.s32 $0xFFFFFFFF  }
0xa5: {  	s26 =	simm.s32 $execute0_lowered;
	[smem:$0x3FD2] =	sst s25  }
0xa6: {  	s5 =	sshll.u32 s26, $0x1;
	_ =	strace $0x80000046;
	[dreg:$0x1] =	wrdreg $0xFFFFFFFF  }
0xa7: {  	s28 =	simm.s32 $_size_execute0_lowered;
	s3 =	sadd.s32 s3, s5;
	[dreg:$0x0] =	wrdreg $0x0  }
0xa8: {  	s5 =	sshll.u32 s28, $0x1;
	[dreg:$0x2] =	wrdreg s3  }
0xa9: {  	[dreg:$0x3] =	wrdreg s5  }
0xaa: {  	[dreg:$0x4] =	wrdreg $0xC0  }
0xab: {  	_ =	task [dreg:s7], $0x5FFFF  }
0xac: {  	[dreg:$0x1] =	wrdreg $0xFFFFFFFF  }
0xad: {  	[dreg:$0x0] =	wrdreg $0x60  }
0xae: {  	[dreg:$0x2] =	wrdreg s2  }
0xaf: {  	[dreg:$0x3] =	wrdreg s24  }
0xb0: {  	[dreg:$0x4] =	wrdreg $0x9  }
0xb1: {  	_ =	task.clear_ibuf [dreg:s7], $0x5FFFF;
	_ =	strace $0x90000046  }
0xb2: {  	s29 =	simm.s32 $0x9;
	_ =	strace $0x80000048  }
0xb3: {  	_ =	swait.ge [sflag:s29], $0x1  }
0xb4: {  	[sflag:s29] =	ssyncadd.s32 $0xFFFFFFFF  }
0xb5: {  	_ =	strace $0x90000048  }
0xb6: {  	_ =	sfence  }
0xb7: {  	s30 =	sld [smem:$0x0];
	_ =	sdelay $0x2  }
0xb8: {  	s31 =	sshll.u32 s1, $0xD;
	s1 =	sshrl.u32 s1, $0x2  }
0xb9: {  	s3 =	sand.u32 $0x4000, s31;
	s1 =	sadd.s32 s1, s30  }
0xba: {  	s0 =	sor.u32 s3, s0;
	s1 =	sshll.u32 s1, $0x11  }
0xbb: {  	s0 =	sor.u32 s1, s0  }
0xbc: {  	s0 =	sadd.s32 $0x8F2B, s0  }
0xbd: {  	[sflag:s0] =	ssyncadd.remote.s32 $0x1  }
0xbe: {  	_ =	sfence.sel $0xFFFF  }
0xbf: {  	[dreg:$0x0] =	wrdreg $0xFFFFFFFF;
	(pc) =	sbr.abs _section_cstart, $3  }
0xc0: {  	[dreg:$0x1] =	wrdreg $0xFFFFFFFF  }
0xc1: {  	_ =	task.clear_ibuf [dreg:s7], $0x2FFFF;
	_ =	strace $0x9FFFFFFF  }
0xc2: {  	(tm) =	ssettm $0x7FFFFFFF  }
0xc3: {  	_ =	shalt  }
tec
execute0_lowered:
.L_overlay_start_1:
0x0: {  	(tag) =	ssettag $0x1  }
0x1: {  	s1 =	rddreg [dreg:$0x0]  }
0x2: {  	s0 =	rddreg [dreg:$0x1];
	s3 =	simm.s32 $0x0  }
0x3: {  	s2 =	srdreg.scid;
	s4 =	stileid.u32;
	s28 =	simm.s32 $0x5  }
0x4: {  	s29 =	simm.s32 $0x9000;
	s30 =	simm.s32 $0x2;
	s31 =	simm.s32 $0x6  }
0x5: {  	s9 =	simm.s32 $0xB;
	s10 =	simm.s32 $0xC;
	s11 =	simm.s32 $0x0  }
0x6: {  	[smem:$0x7FF] =	sst s3;
	s2 =	sand.u32 $0x1, s2;
	s4 =	sshll.u32 s4, $0x1  }
0x7: {  	s5 =	sadd.s32 $0x1B0400, s0;
	s6 =	ssub.s32 $0x2, s2;
	s2 =	sor.u32 s2, s4  }
0x8: {  	_ =	strace $0x80000047;
	s7 =	sshrl.u32 s6, $0x1;
	s8 =	smul.u32 $0xD800, s2  }
0x9: {  	s4 =	sadd.s32 $0x400, s0;
	s18 =	ssub.s32 s6, s7;
	s6 =	smul.u32 $0x60, s2  }
0xa: {  	s19 =	sadd.s32 s1, s8;
	s20 =	sadd.s32 s4, s8;
	s21 =	sor.u32 $0x240, s8  }
0xb: {  	s23 =	sor.u32 $0x480, s8;
	s25 =	sor.u32 $0x6C0, s8;
	[dreg:$0x3] =	wrdreg s19  }
0xc: {  	s0 =	smax.u32 s18, $0x1;
	s8 =	simm.s32 $0xA;
	[dreg:$0x4] =	wrdreg s20  }
0xd: {  	s22 =	sadd.s32 s1, s21;
	s2 =	sadd.s32 s4, s21;
	s24 =	sadd.s32 s1, s23  }
0xe: {  	s26 =	sadd.s32 s1, s25;
	s15 =	sadd.s32 $0x5D, s6;
	[dreg:$0xb] =	wrdreg s0  }
0xf: {  	s16 =	sadd.s32 $0x5E, s6;
	s17 =	sadd.s32 $0x5F, s6;
	[dreg:$0x5] =	wrdreg s22  }
0x10: {  	s0 =	simm.s32 $0xD800;
	s19 =	simm.s32 $0x7;
	[dreg:$0x6] =	wrdreg s2  }
.Ltmp0:
0x11: {  	s20 =	simm.s32 $0x12000;
	[dreg:$0x7] =	wrdreg s24;
	(pc) =	sbr.rel .LBB2_1-.Ltmp0, $4  }
0x12: {  	s21 =	simm.s32 $0x4;
	s2 =	sadd.s32 s4, s23;
	[dreg:$0x9] =	wrdreg s26  }
0x13: {  	s24 =	simm.s32 $0x3600;
	s26 =	simm.s32 $0x1;
	s22 =	simm.s32 $0x8  }
0x14: {  	s23 =	simm.s32 $0x16800;
	[dreg:$0x8] =	wrdreg s2;
	s2 =	sadd.s32 s4, s25  }
0x15: {  	v0 =	vimm.f32 $0.0e+00;
	s25 =	simm.s32 $0x7E00;
	[dreg:$0xa] =	wrdreg s2;
	s2 =	simm.s32 $0x3  }
.LBB2_26:
0x16: {  	s7 =	simm.s32 $0x9  }
0x17: {  	_ =	swait.ge [sflag:s7], $0x4800  }
0x18: {  	[sflag:s7] =	ssyncset.done $0x0  }
0x19: {  	[sflag:s7] =	ssyncadd.s32 $0xFFFFB800  }
0x1a: {  	_ =	swait.ge [sflag:s8], $0x4800  }
0x1b: {  	[sflag:s8] =	ssyncset.done $0x0  }
0x1c: {  	[sflag:s8] =	ssyncadd.s32 $0xFFFFB800  }
0x1d: {  	_ =	swait.ge [sflag:s9], $0x4800  }
0x1e: {  	[sflag:s9] =	ssyncset.done $0x0  }
0x1f: {  	[sflag:s9] =	ssyncadd.s32 $0xFFFFB800  }
0x20: {  	_ =	swait.ge [sflag:s10], $0x4800  }
0x21: {  	s11 =	rddreg [dreg:$0xc]  }
0x22: {  	s18 =	rddreg [dreg:$0xb];
	s11 =	sadd.s32 $0x1, s11  }
0x23: {  	p0 =	sne.s32 s11, s18  }
.Ltmp1:
0x24: {  	_ = 	snop;
	(pc) =	sbr.rel @!p0 .LBB2_27-.Ltmp1, $3  }
0x25: {  	_ =	sdelay $0x1  }
0x26: {  	[sflag:s10] =	ssyncset.done $0x0  }
0x27: {  	[sflag:s10] =	ssyncadd.s32 $0xFFFFB800  }
.LBB2_1:
0x28: {  	[dreg:$0xc] =	wrdreg s11  }
0x29: {  	s7 =	rddreg [dreg:$0x3]  }
0x2a: {  	[tilespmem:s3], [sflag:$0x1] =	stream.linear.gather [hbm4b:s7+s3], $0x1200, $0x38;
	[tilespmem:$0x1B000] =	vst v63  }
0x2b: {  	s12 =	rddreg [dreg:$0x4];
	s13 =	simm.s32 $0x4800  }
0x2c: {  	[tilespmem:s13], [sflag:$0x5] =	stream.linear.gather [hbm4b:s12+s3], $0x1200, $0x38;
	[tilespmem:$0x1B000] =	vst v63  }
0x2d: {  	s14 =	rddreg [dreg:$0x5];
	s18 =	simm.s32 $0x1200  }
0x2e: {  	[tilespmem:s18], [sflag:$0x2] =	stream.linear.gather [hbm4b:s14+s3], $0x1200, $0x38;
	[tilespmem:$0x1B000] =	vst v63  }
0x2f: {  	s12 =	rddreg [dreg:$0x6];
	s13 =	simm.s32 $0x5A00  }
0x30: {  	[tilespmem:s13], [sflag:$0x6] =	stream.linear.gather [hbm4b:s12+s3], $0x1200, $0x38;
	[tilespmem:$0x1B000] =	vst v63  }
0x31: {  	s14 =	rddreg [dreg:$0x7];
	s18 =	simm.s32 $0x2400  }
0x32: {  	[tilespmem:s18], [sflag:$0x3] =	stream.linear.gather [hbm4b:s14+s3], $0x1200, $0x38;
	[tilespmem:$0x1B000] =	vst v63  }
0x33: {  	s12 =	rddreg [dreg:$0x8];
	s13 =	simm.s32 $0x6C00  }
0x34: {  	[tilespmem:s13], [sflag:$0x7] =	stream.linear.gather [hbm4b:s12+s3], $0x1200, $0x38;
	[tilespmem:$0x1B000] =	vst v63  }
0x35: {  	s14 =	rddreg [dreg:$0x9]  }
0x36: {  	[tilespmem:s24], [sflag:$0x4] =	stream.linear.gather [hbm4b:s14+s3], $0x1200, $0x38;
	[tilespmem:$0x1B000] =	vst v63  }
0x37: {  	s18 =	rddreg [dreg:$0xa];
	s12 =	simm.s32 $0x0  }
0x38: {  	[tilespmem:s25], [sflag:$0x8] =	stream.linear.gather [hbm4b:s18+s3], $0x1200, $0x38;
	[tilespmem:$0x1B000] =	vst v63  }
.LBB2_2:
0x39: {  	p0 =	seq.s32 s12, $0x0  }
0x3a: {  	s7 =	simm.s32 @!p0 $0x9  }
0x3b: {  	_ =	swait.ge @!p0 [sflag:s7], $0x4800  }
0x3c: {  	[sflag:s7] =	ssyncset.done @!p0 $0x0  }
0x3d: {  	[sflag:s7] =	ssyncadd.s32 @!p0 $0xFFFFB800;
	s7 =	simm.s32 $0x9040  }
0x3e: {  	[tilespmem:s7+$0xFFFFFFC0] =	vst v0  }
0x3f: {  	[tilespmem:s7+$0x30] =	vst v0  }
0x40: {  	[tilespmem:s7+$0x20] =	vst v0  }
0x41: {  	[tilespmem:s7+$0x10] =	vst v0  }
0x42: {  	[tilespmem:s7+$0x0] =	vst v0  }
0x43: {  	s13 =	sshll.u32 s12, $0x2;
	[tilespmem:s7+$0xFFFFFFF0] =	vst v0  }
0x44: {  	s11 =	simm.s32 $0x0;
	s14 =	sadd.s32 s6, s13;
	[tilespmem:s7+$0xFFFFFFE0] =	vst v0  }
.LBB2_3:
0x45: {  	s11 =	sadd.s32 $0x80, s11;
	[tilespmem:s7+$0xFFFFFFD0] =	vst v0;
	s7 =	sadd.s32 $0x80, s7  }
0x46: {  	[tilespmem:s7+$0xFFFFFFC0] =	vst v0;
	p0 =	slt.u32 s11, $0x4780  }
0x47: {  	[tilespmem:s7+$0x30] =	vst v0  }
.Ltmp2:
0x48: {  	[tilespmem:s7+$0x20] =	vst v0;
	(pc) =	sbr.rel @p0 .LBB2_3-.Ltmp2, $4  }
0x49: {  	[tilespmem:s7+$0x10] =	vst v0  }
0x4a: {  	[tilespmem:s7+$0x0] =	vst v0  }
0x4b: {  	[tilespmem:s7+$0xFFFFFFF0] =	vst v0  }
0x4c: {  	[tilespmem:s7+$0xFFFFFFE0] =	vst v0  }
0x4d: {  	[tilespmem:s7+$0xFFFFFFD0] =	vst v0  }
0x4e: {  	_ =	swait.ge [sflag:s26], $0x1200  }
0x4f: {  	[sflag:s26] =	ssyncset.done $0x0  }
0x50: {  	[sflag:s26] =	ssyncadd.s32 $0xFFFFEE00  }
0x51: {  	_ =	swait.ge [sflag:s28], $0x1200  }
0x52: {  	[sflag:s28] =	ssyncset.done $0x0  }
0x53: {  	s7 =	simm.s32 $0x4820;
	[sflag:s28] =	ssyncadd.s32 $0xFFFFEE00  }
0x54: {  	v2 =	vld [tilespmem:s7+$0x10]  }
0x55: {  	v3 =	vld [tilespmem:s7+$0xFFFFFFE0]  }
0x56: {  	s11 =	sand.u32 $0x4, s13;
	v5 =	vld [tilespmem:s7+$0xFFFFFFF0]  }
0x57: {  	s11 =	smul.u32 $0x4800, s11;
	v8 =	vld [tilespmem:s7+$0x0]  }
0x58: {  	s18 =	simm.s32 $0x20  }
0x59: {  	v1 =	vmov s11;
	s11 =	simm.s32 $0x4860;
	v11 =	vld [tilespmem:s18+$0x10]  }
0x5a: {  	v10 =	vld [tilespmem:s11+$0x10];
	v4 =	vsub.s32 v2, v1;
	v6 =	vsub.s32 v3, v1;
	v2 =	vand.u32 $0x7F, v2  }
0x5b: {  	v12 =	vsub.s32 v5, v1;
	v5 =	vand.u32 $0x7F, v5;
	v7 =	vand.u32 $0xFFFFFF80, v4;
	v4 =	vld [tilespmem:s11+$0xFFFFFFE0]  }
0x5c: {  	v14 =	vand.u32 $0x7F, v8;
	v9 =	vand.u32 $0xFFFFFF80, v6;
	v6 =	vld [tilespmem:s11+$0xFFFFFFF0];
	v13 =	vor.u32 v2, v7  }
0x5d: {  	v2 =	vand.u32 $0x7F, v3;
	v3 =	vand.u32 $0xFFFFFF80, v12;
	v12 =	vsub.s32 v8, v1;
	v7 =	vld [tilespmem:s11+$0x0]  }
0x5e: {  	v12 =	vand.u32 $0xFFFFFF80, v12;
	v2 =	vor.u32 v2, v9;
	v9 =	vld [tilespmem:s18+$0xFFFFFFF0];
	v8 =	vor.u32 v5, v3  }
0x5f: {  	v5 =	vld [tilespmem:s18+$0x0];
	v3 =	vor.u32 v14, v12;
	v12 =	vsub.s32 v10, v1  }
0x60: {  	v15 =	vand.u32 $0x7F, v10;
	v10 =	vld [tilespmem:s18+$0xFFFFFFE0];
	s18 =	simm.s32 $0x60;
	v12 =	vand.u32 $0xFFFFFF80, v12;
	v14 =	vsub.s32 v4, v1  }
0x61: {  	s7 =	simm.s32 $0x40;
	s11 =	simm.s32 $0x48A0;
	v12 =	vor.u32 v15, v12;
	[tilespmem:v13+s29+$0x0] =	vst.idx.msk $0xffff, v11;
	v13 =	vand.u32 $0xFFFFFF80, v14;
	v14 =	vsub.s32 v6, v1;
	v11 =	vld [tilespmem:s18+$0x10]  }
.LBB2_5:
0x62: {  	v15 =	vld [tilespmem:s11+$0x10];
	s7 =	sadd.s32 $0x40, s7;
	v16 =	vand.u32 $0x7F, v4;
	v14 =	vand.u32 $0xFFFFFF80, v14;
	v17 =	vsub.s32 v7, v1  }
0x63: {  	v18 =	vand.u32 $0x7F, v6;
	v7 =	vand.u32 $0x7F, v7;
	v4 =	vld [tilespmem:s11+$0xFFFFFFE0];
	p0 =	slt.u32 s7, $0x11C0;
	v17 =	vand.u32 $0xFFFFFF80, v17;
	[tilespmem:v8+s29+$0x0] =	vst.idx.msk $0xffff, v9  }
0x64: {  	v9 =	vor.u32 v16, v13;
	v8 =	vor.u32 v18, v14;
	v6 =	vld [tilespmem:s11+$0xFFFFFFF0];
	v13 =	vor.u32 v7, v17  }
.Ltmp3:
0x65: {  	v7 =	vld [tilespmem:s11+$0x0];
	[tilespmem:v2+s29+$0x0] =	vst.idx.msk $0xffff, v10;
	v2 =	vmov v9;
	(pc) =	sbr.rel @p0 .LBB2_5-.Ltmp3, $4  }
0x66: {  	v9 =	vld [tilespmem:s18+$0xFFFFFFF0];
	[tilespmem:v12+s29+$0x0] =	vst.idx.msk $0xffff, v11  }
0x67: {  	v10 =	vsub.s32 v15, v1;
	[tilespmem:v3+s29+$0x0] =	vst.idx.msk $0xffff, v5;
	v5 =	vld [tilespmem:s18+$0x0];
	v3 =	vmov v13  }
0x68: {  	v15 =	vand.u32 $0x7F, v15;
	v11 =	vsub.s32 v4, v1;
	v12 =	vand.u32 $0xFFFFFF80, v10;
	v10 =	vld [tilespmem:s18+$0xFFFFFFE0];
	s18 =	sadd.s32 $0x40, s18  }
0x69: {  	s11 =	sadd.s32 $0x40, s11;
	v13 =	vand.u32 $0xFFFFFF80, v11;
	v14 =	vsub.s32 v6, v1;
	v11 =	vld [tilespmem:s18+$0x10];
	v12 =	vor.u32 v15, v12  }
0x6a: {  	_ =	sdelay $0x1  }
0x6b: {  	v14 =	vand.u32 $0xFFFFFF80, v14;
	v6 =	vand.u32 $0x7F, v6  }
0x6c: {  	v4 =	vand.u32 $0x7F, v4;
	v1 =	vsub.s32 v7, v1;
	v61 =	vld [tilespmem:s18+$0xFFFFFFF0];
	v6 =	vor.u32 v6, v14  }
0x6d: {  	v62 =	vand.u32 $0x7F, v7;
	v63 =	vld [tilespmem:s18+$0xFFFFFFE0];
	v1 =	vand.u32 $0xFFFFFF80, v1;
	[tilespmem:v8+s29+$0x0] =	vst.idx.msk $0xffff, v9;
	v4 =	vor.u32 v4, v13  }
0x6e: {  	v1 =	vor.u32 v62, v1;
	[tilespmem:v2+s29+$0x0] =	vst.idx.msk $0xffff, v10;
	v2 =	vld [tilespmem:s18+$0x0]  }
0x6f: {  	[tilespmem:v3+s29+$0x0] =	vst.idx.msk $0xffff, v5  }
0x70: {  	[tilespmem:v12+s29+$0x0] =	vst.idx.msk $0xffff, v11  }
0x71: {  	s7 =	smul.u32 $0x900, s14;
	[tilespmem:v6+s29+$0x0] =	vst.idx.msk $0xffff, v61  }
0x72: {  	p0 =	seq.s32 s12, $0x17;
	[tilespmem:v4+s29+$0x0] =	vst.idx.msk $0xffff, v63  }
0x73: {  	s11 =	smul.u32 @!p0 $0x1200, s14;
	s7 =	sadd.s32 s5, s7;
	[tilespmem:v1+s29+$0x0] =	vst.idx.msk $0xffff, v2  }
0x74: {  	[hbm4b:s7+s3] =	stream.linear.scatter [tilespmem:s29], [sflag:$0x9], $0x4800, $0x38;
	[tilespmem:$0x1B000] =	vst v63  }
0x75: {  	p1 =	seq.s32 @!p0 s12, $0x0;
	s7 =	sshrl.u32 @!p0 s11, $0x3  }
0x76: {  	p1 =	por p0, !p1;
	s7 =	sadd.s32 @!p0 $0x900, s7  }
.Ltmp4:
0x77: {  	s14 =	simm.s32 @!p0 $0x0;
	s11 =	sadd.s32 @!p0 s1, s7;
	(pc) =	sbr.rel @!p1 .LBB2_8-.Ltmp4, $4  }
0x78: {  	[tilespmem:s14], [sflag:$0x1] =	stream.linear.gather @!p0 [hbm4b:s11+s14], $0x1200, $0x38;
	[tilespmem:$0x1B000] =	vst v63  }
0x79: {  	s18 =	sor.u32 @!p0 $0x1, s13;
	s7 =	sadd.s32 @!p0 s4, s7;
	s11 =	simm.s32 @!p0 $0x4800  }
0x7a: {  	[tilespmem:s11], [sflag:$0x5] =	stream.linear.gather @!p0 [hbm4b:s7+s14], $0x1200, $0x38;
	[tilespmem:$0x1B000] =	vst v63  }
0x7b: {  	s14 =	sadd.s32 @!p0 s6, s18  }
0x7c: {  	_ =	swait.ge [sflag:s8], $0x4800  }
0x7d: {  	[sflag:s8] =	ssyncset.done $0x0  }
0x7e: {  	s14 =	smov.u32 @p0 s15;
	s18 =	simm.s32 @p0 $0x5D;
	[sflag:s8] =	ssyncadd.s32 $0xFFFFB800  }
.LBB2_8:
0x7f: {  	s7 =	simm.s32 $0xD840  }
0x80: {  	[tilespmem:s7+$0xFFFFFFC0] =	vst v0  }
0x81: {  	[tilespmem:s7+$0x30] =	vst v0  }
0x82: {  	[tilespmem:s7+$0x20] =	vst v0  }
0x83: {  	[tilespmem:s7+$0x10] =	vst v0  }
0x84: {  	[tilespmem:s7+$0x0] =	vst v0  }
0x85: {  	[tilespmem:s7+$0xFFFFFFF0] =	vst v0  }
0x86: {  	s11 =	simm.s32 $0x0;
	[tilespmem:s7+$0xFFFFFFE0] =	vst v0  }
.LBB2_9:
0x87: {  	s11 =	sadd.s32 $0x80, s11;
	[tilespmem:s7+$0xFFFFFFD0] =	vst v0;
	s7 =	sadd.s32 $0x80, s7  }
0x88: {  	[tilespmem:s7+$0xFFFFFFC0] =	vst v0;
	p2 =	slt.u32 s11, $0x4780  }
0x89: {  	[tilespmem:s7+$0x30] =	vst v0  }
.Ltmp5:
0x8a: {  	[tilespmem:s7+$0x20] =	vst v0;
	(pc) =	sbr.rel @p2 .LBB2_9-.Ltmp5, $4  }
0x8b: {  	[tilespmem:s7+$0x10] =	vst v0  }
0x8c: {  	[tilespmem:s7+$0x0] =	vst v0  }
0x8d: {  	[tilespmem:s7+$0xFFFFFFF0] =	vst v0  }
0x8e: {  	[tilespmem:s7+$0xFFFFFFE0] =	vst v0  }
0x8f: {  	[tilespmem:s7+$0xFFFFFFD0] =	vst v0  }
0x90: {  	_ =	swait.ge [sflag:s30], $0x1200  }
0x91: {  	[sflag:s30] =	ssyncset.done $0x0  }
0x92: {  	[sflag:s30] =	ssyncadd.s32 $0xFFFFEE00  }
0x93: {  	_ =	swait.ge [sflag:s31], $0x1200  }
0x94: {  	[sflag:s31] =	ssyncset.done $0x0  }
0x95: {  	s7 =	simm.s32 $0x5A20;
	[sflag:s31] =	ssyncadd.s32 $0xFFFFEE00  }
0x96: {  	v2 =	vld [tilespmem:s7+$0x10]  }
0x97: {  	v3 =	vld [tilespmem:s7+$0xFFFFFFE0]  }
0x98: {  	s11 =	sand.u32 $0x5, s18;
	v5 =	vld [tilespmem:s7+$0xFFFFFFF0]  }
0x99: {  	s11 =	smul.u32 $0x4800, s11;
	v8 =	vld [tilespmem:s7+$0x0]  }
0x9a: {  	s18 =	simm.s32 $0x1220  }
0x9b: {  	v1 =	vmov s11;
	s11 =	simm.s32 $0x5A60;
	v11 =	vld [tilespmem:s18+$0x10]  }
0x9c: {  	v10 =	vld [tilespmem:s11+$0x10];
	v4 =	vsub.s32 v2, v1;
	v6 =	vsub.s32 v3, v1;
	v2 =	vand.u32 $0x7F, v2  }
0x9d: {  	v12 =	vsub.s32 v5, v1;
	v5 =	vand.u32 $0x7F, v5;
	v7 =	vand.u32 $0xFFFFFF80, v4;
	v4 =	vld [tilespmem:s11+$0xFFFFFFE0]  }
0x9e: {  	v14 =	vand.u32 $0x7F, v8;
	v9 =	vand.u32 $0xFFFFFF80, v6;
	v6 =	vld [tilespmem:s11+$0xFFFFFFF0];
	v13 =	vor.u32 v2, v7  }
0x9f: {  	v2 =	vand.u32 $0x7F, v3;
	v3 =	vand.u32 $0xFFFFFF80, v12;
	v12 =	vsub.s32 v8, v1;
	v7 =	vld [tilespmem:s11+$0x0]  }
0xa0: {  	v12 =	vand.u32 $0xFFFFFF80, v12;
	v2 =	vor.u32 v2, v9;
	v9 =	vld [tilespmem:s18+$0xFFFFFFF0];
	v8 =	vor.u32 v5, v3  }
0xa1: {  	v5 =	vld [tilespmem:s18+$0x0];
	v3 =	vor.u32 v14, v12;
	v12 =	vsub.s32 v10, v1  }
0xa2: {  	v15 =	vand.u32 $0x7F, v10;
	v10 =	vld [tilespmem:s18+$0xFFFFFFE0];
	s18 =	simm.s32 $0x1260;
	v12 =	vand.u32 $0xFFFFFF80, v12;
	v14 =	vsub.s32 v4, v1  }
0xa3: {  	s7 =	simm.s32 $0x40;
	s11 =	simm.s32 $0x5AA0;
	v12 =	vor.u32 v15, v12;
	[tilespmem:v13+s0+$0x0] =	vst.idx.msk $0xffff, v11;
	v13 =	vand.u32 $0xFFFFFF80, v14;
	v14 =	vsub.s32 v6, v1;
	v11 =	vld [tilespmem:s18+$0x10]  }
.LBB2_11:
0xa4: {  	v15 =	vld [tilespmem:s11+$0x10];
	s7 =	sadd.s32 $0x40, s7;
	v16 =	vand.u32 $0x7F, v4;
	v14 =	vand.u32 $0xFFFFFF80, v14;
	v17 =	vsub.s32 v7, v1  }
0xa5: {  	v18 =	vand.u32 $0x7F, v6;
	v7 =	vand.u32 $0x7F, v7;
	v4 =	vld [tilespmem:s11+$0xFFFFFFE0];
	p2 =	slt.u32 s7, $0x11C0;
	v17 =	vand.u32 $0xFFFFFF80, v17;
	[tilespmem:v8+s0+$0x0] =	vst.idx.msk $0xffff, v9  }
0xa6: {  	v9 =	vor.u32 v16, v13;
	v8 =	vor.u32 v18, v14;
	v6 =	vld [tilespmem:s11+$0xFFFFFFF0];
	v13 =	vor.u32 v7, v17  }
.Ltmp6:
0xa7: {  	v7 =	vld [tilespmem:s11+$0x0];
	[tilespmem:v2+s0+$0x0] =	vst.idx.msk $0xffff, v10;
	v2 =	vmov v9;
	(pc) =	sbr.rel @p2 .LBB2_11-.Ltmp6, $4  }
0xa8: {  	v9 =	vld [tilespmem:s18+$0xFFFFFFF0];
	[tilespmem:v12+s0+$0x0] =	vst.idx.msk $0xffff, v11  }
0xa9: {  	v10 =	vsub.s32 v15, v1;
	[tilespmem:v3+s0+$0x0] =	vst.idx.msk $0xffff, v5;
	v5 =	vld [tilespmem:s18+$0x0];
	v3 =	vmov v13  }
0xaa: {  	v15 =	vand.u32 $0x7F, v15;
	v11 =	vsub.s32 v4, v1;
	v12 =	vand.u32 $0xFFFFFF80, v10;
	v10 =	vld [tilespmem:s18+$0xFFFFFFE0];
	s18 =	sadd.s32 $0x40, s18  }
0xab: {  	s11 =	sadd.s32 $0x40, s11;
	v13 =	vand.u32 $0xFFFFFF80, v11;
	v14 =	vsub.s32 v6, v1;
	v11 =	vld [tilespmem:s18+$0x10];
	v12 =	vor.u32 v15, v12  }
0xac: {  	_ =	sdelay $0x1  }
0xad: {  	v14 =	vand.u32 $0xFFFFFF80, v14;
	v6 =	vand.u32 $0x7F, v6  }
0xae: {  	v4 =	vand.u32 $0x7F, v4;
	v1 =	vsub.s32 v7, v1;
	v61 =	vld [tilespmem:s18+$0xFFFFFFF0];
	v6 =	vor.u32 v6, v14  }
0xaf: {  	v62 =	vand.u32 $0x7F, v7;
	v63 =	vld [tilespmem:s18+$0xFFFFFFE0];
	v1 =	vand.u32 $0xFFFFFF80, v1;
	[tilespmem:v8+s0+$0x0] =	vst.idx.msk $0xffff, v9;
	v4 =	vor.u32 v4, v13  }
0xb0: {  	v1 =	vor.u32 v62, v1;
	[tilespmem:v2+s0+$0x0] =	vst.idx.msk $0xffff, v10;
	v2 =	vld [tilespmem:s18+$0x0]  }
0xb1: {  	[tilespmem:v3+s0+$0x0] =	vst.idx.msk $0xffff, v5  }
0xb2: {  	[tilespmem:v12+s0+$0x0] =	vst.idx.msk $0xffff, v11  }
0xb3: {  	s7 =	smul.u32 $0x900, s14;
	[tilespmem:v6+s0+$0x0] =	vst.idx.msk $0xffff, v61  }
0xb4: {  	[tilespmem:v4+s0+$0x0] =	vst.idx.msk $0xffff, v63  }
0xb5: {  	s11 =	smul.u32 @!p0 $0x1200, s14;
	s7 =	sadd.s32 s5, s7;
	[tilespmem:v1+s0+$0x0] =	vst.idx.msk $0xffff, v2  }
0xb6: {  	[hbm4b:s7+s3] =	stream.linear.scatter [tilespmem:s0], [sflag:$0xA], $0x4800, $0x38;
	[tilespmem:$0x1B000] =	vst v63  }
0xb7: {  	s7 =	sshrl.u32 @!p0 s11, $0x3  }
0xb8: {  	s14 =	simm.s32 @!p0 $0x0;
	s7 =	sadd.s32 @!p0 $0x900, s7  }
.Ltmp7:
0xb9: {  	s18 =	simm.s32 @!p0 $0x1200;
	s11 =	sadd.s32 @!p0 s1, s7;
	(pc) =	sbr.rel @!p1 .LBB2_14-.Ltmp7, $4  }
0xba: {  	[tilespmem:s18], [sflag:$0x2] =	stream.linear.gather @!p0 [hbm4b:s11+s14], $0x1200, $0x38;
	[tilespmem:$0x1B000] =	vst v63  }
0xbb: {  	s7 =	sadd.s32 @!p0 s4, s7;
	s11 =	simm.s32 @!p0 $0x5A00;
	s18 =	sor.u32 @!p0 $0x2, s13  }
0xbc: {  	[tilespmem:s11], [sflag:$0x6] =	stream.linear.gather @!p0 [hbm4b:s7+s14], $0x1200, $0x38;
	[tilespmem:$0x1B000] =	vst v63  }
0xbd: {  	s14 =	sadd.s32 @!p0 s6, s18  }
0xbe: {  	_ =	swait.ge [sflag:s9], $0x4800  }
0xbf: {  	[sflag:s9] =	ssyncset.done $0x0  }
0xc0: {  	s14 =	smov.u32 @p0 s16;
	s18 =	simm.s32 @p0 $0x5E;
	[sflag:s9] =	ssyncadd.s32 $0xFFFFB800  }
.LBB2_14:
0xc1: {  	s7 =	simm.s32 $0x12040  }
0xc2: {  	[tilespmem:s7+$0xFFFFFFC0] =	vst v0  }
0xc3: {  	[tilespmem:s7+$0x30] =	vst v0  }
0xc4: {  	[tilespmem:s7+$0x20] =	vst v0  }
0xc5: {  	[tilespmem:s7+$0x10] =	vst v0  }
0xc6: {  	[tilespmem:s7+$0x0] =	vst v0  }
0xc7: {  	[tilespmem:s7+$0xFFFFFFF0] =	vst v0  }
0xc8: {  	s11 =	simm.s32 $0x0;
	[tilespmem:s7+$0xFFFFFFE0] =	vst v0  }
.LBB2_15:
0xc9: {  	s11 =	sadd.s32 $0x80, s11;
	[tilespmem:s7+$0xFFFFFFD0] =	vst v0;
	s7 =	sadd.s32 $0x80, s7  }
0xca: {  	[tilespmem:s7+$0xFFFFFFC0] =	vst v0;
	p2 =	slt.u32 s11, $0x4780  }
0xcb: {  	[tilespmem:s7+$0x30] =	vst v0  }
.Ltmp8:
0xcc: {  	[tilespmem:s7+$0x20] =	vst v0;
	(pc) =	sbr.rel @p2 .LBB2_15-.Ltmp8, $4  }
0xcd: {  	[tilespmem:s7+$0x10] =	vst v0  }
0xce: {  	[tilespmem:s7+$0x0] =	vst v0  }
0xcf: {  	[tilespmem:s7+$0xFFFFFFF0] =	vst v0  }
0xd0: {  	[tilespmem:s7+$0xFFFFFFE0] =	vst v0  }
0xd1: {  	[tilespmem:s7+$0xFFFFFFD0] =	vst v0  }
0xd2: {  	_ =	swait.ge [sflag:s2], $0x1200  }
0xd3: {  	[sflag:s2] =	ssyncset.done $0x0  }
0xd4: {  	[sflag:s2] =	ssyncadd.s32 $0xFFFFEE00  }
0xd5: {  	_ =	swait.ge [sflag:s19], $0x1200  }
0xd6: {  	[sflag:s19] =	ssyncset.done $0x0  }
0xd7: {  	s7 =	simm.s32 $0x6C20;
	[sflag:s19] =	ssyncadd.s32 $0xFFFFEE00  }
0xd8: {  	v2 =	vld [tilespmem:s7+$0x10]  }
0xd9: {  	v3 =	vld [tilespmem:s7+$0xFFFFFFE0]  }
0xda: {  	s11 =	sand.u32 $0x6, s18;
	v5 =	vld [tilespmem:s7+$0xFFFFFFF0]  }
0xdb: {  	s11 =	smul.u32 $0x4800, s11;
	v8 =	vld [tilespmem:s7+$0x0]  }
0xdc: {  	s18 =	simm.s32 $0x2420  }
0xdd: {  	v1 =	vmov s11;
	s11 =	simm.s32 $0x6C60;
	v11 =	vld [tilespmem:s18+$0x10]  }
0xde: {  	v10 =	vld [tilespmem:s11+$0x10];
	v4 =	vsub.s32 v2, v1;
	v6 =	vsub.s32 v3, v1;
	v2 =	vand.u32 $0x7F, v2  }
0xdf: {  	v12 =	vsub.s32 v5, v1;
	v5 =	vand.u32 $0x7F, v5;
	v7 =	vand.u32 $0xFFFFFF80, v4;
	v4 =	vld [tilespmem:s11+$0xFFFFFFE0]  }
0xe0: {  	v14 =	vand.u32 $0x7F, v8;
	v9 =	vand.u32 $0xFFFFFF80, v6;
	v6 =	vld [tilespmem:s11+$0xFFFFFFF0];
	v13 =	vor.u32 v2, v7  }
0xe1: {  	v2 =	vand.u32 $0x7F, v3;
	v3 =	vand.u32 $0xFFFFFF80, v12;
	v12 =	vsub.s32 v8, v1;
	v7 =	vld [tilespmem:s11+$0x0]  }
0xe2: {  	v12 =	vand.u32 $0xFFFFFF80, v12;
	v2 =	vor.u32 v2, v9;
	v9 =	vld [tilespmem:s18+$0xFFFFFFF0];
	v8 =	vor.u32 v5, v3  }
0xe3: {  	v5 =	vld [tilespmem:s18+$0x0];
	v3 =	vor.u32 v14, v12;
	v12 =	vsub.s32 v10, v1  }
0xe4: {  	v15 =	vand.u32 $0x7F, v10;
	v10 =	vld [tilespmem:s18+$0xFFFFFFE0];
	s18 =	simm.s32 $0x2460;
	v12 =	vand.u32 $0xFFFFFF80, v12;
	v14 =	vsub.s32 v4, v1  }
0xe5: {  	s7 =	simm.s32 $0x40;
	s11 =	simm.s32 $0x6CA0;
	v12 =	vor.u32 v15, v12;
	[tilespmem:v13+s20+$0x0] =	vst.idx.msk $0xffff, v11;
	v13 =	vand.u32 $0xFFFFFF80, v14;
	v14 =	vsub.s32 v6, v1;
	v11 =	vld [tilespmem:s18+$0x10]  }
.LBB2_17:
0xe6: {  	v15 =	vld [tilespmem:s11+$0x10];
	s7 =	sadd.s32 $0x40, s7;
	v16 =	vand.u32 $0x7F, v4;
	v14 =	vand.u32 $0xFFFFFF80, v14;
	v17 =	vsub.s32 v7, v1  }
0xe7: {  	v18 =	vand.u32 $0x7F, v6;
	v7 =	vand.u32 $0x7F, v7;
	v4 =	vld [tilespmem:s11+$0xFFFFFFE0];
	p2 =	slt.u32 s7, $0x11C0;
	v17 =	vand.u32 $0xFFFFFF80, v17;
	[tilespmem:v8+s20+$0x0] =	vst.idx.msk $0xffff, v9  }
0xe8: {  	v9 =	vor.u32 v16, v13;
	v8 =	vor.u32 v18, v14;
	v6 =	vld [tilespmem:s11+$0xFFFFFFF0];
	v13 =	vor.u32 v7, v17  }
.Ltmp9:
0xe9: {  	v7 =	vld [tilespmem:s11+$0x0];
	[tilespmem:v2+s20+$0x0] =	vst.idx.msk $0xffff, v10;
	v2 =	vmov v9;
	(pc) =	sbr.rel @p2 .LBB2_17-.Ltmp9, $4  }
0xea: {  	v9 =	vld [tilespmem:s18+$0xFFFFFFF0];
	[tilespmem:v12+s20+$0x0] =	vst.idx.msk $0xffff, v11  }
0xeb: {  	v10 =	vsub.s32 v15, v1;
	[tilespmem:v3+s20+$0x0] =	vst.idx.msk $0xffff, v5;
	v5 =	vld [tilespmem:s18+$0x0];
	v3 =	vmov v13  }
0xec: {  	v15 =	vand.u32 $0x7F, v15;
	v11 =	vsub.s32 v4, v1;
	v12 =	vand.u32 $0xFFFFFF80, v10;
	v10 =	vld [tilespmem:s18+$0xFFFFFFE0];
	s18 =	sadd.s32 $0x40, s18  }
0xed: {  	s11 =	sadd.s32 $0x40, s11;
	v13 =	vand.u32 $0xFFFFFF80, v11;
	v14 =	vsub.s32 v6, v1;
	v11 =	vld [tilespmem:s18+$0x10];
	v12 =	vor.u32 v15, v12  }
0xee: {  	_ =	sdelay $0x1  }
0xef: {  	v14 =	vand.u32 $0xFFFFFF80, v14;
	v6 =	vand.u32 $0x7F, v6  }
0xf0: {  	v4 =	vand.u32 $0x7F, v4;
	v1 =	vsub.s32 v7, v1;
	v61 =	vld [tilespmem:s18+$0xFFFFFFF0];
	v6 =	vor.u32 v6, v14  }
0xf1: {  	v62 =	vand.u32 $0x7F, v7;
	v63 =	vld [tilespmem:s18+$0xFFFFFFE0];
	v1 =	vand.u32 $0xFFFFFF80, v1;
	[tilespmem:v8+s20+$0x0] =	vst.idx.msk $0xffff, v9;
	v4 =	vor.u32 v4, v13  }
0xf2: {  	v1 =	vor.u32 v62, v1;
	[tilespmem:v2+s20+$0x0] =	vst.idx.msk $0xffff, v10;
	v2 =	vld [tilespmem:s18+$0x0]  }
0xf3: {  	[tilespmem:v3+s20+$0x0] =	vst.idx.msk $0xffff, v5  }
0xf4: {  	[tilespmem:v12+s20+$0x0] =	vst.idx.msk $0xffff, v11  }
0xf5: {  	s7 =	smul.u32 $0x900, s14;
	[tilespmem:v6+s20+$0x0] =	vst.idx.msk $0xffff, v61  }
0xf6: {  	[tilespmem:v4+s20+$0x0] =	vst.idx.msk $0xffff, v63  }
0xf7: {  	s11 =	smul.u32 @!p0 $0x1200, s14;
	s7 =	sadd.s32 s5, s7;
	[tilespmem:v1+s20+$0x0] =	vst.idx.msk $0xffff, v2  }
0xf8: {  	[hbm4b:s7+s3] =	stream.linear.scatter [tilespmem:s20], [sflag:$0xB], $0x4800, $0x38;
	[tilespmem:$0x1B000] =	vst v63  }
0xf9: {  	s7 =	sshrl.u32 @!p0 s11, $0x3  }
0xfa: {  	s7 =	sadd.s32 @!p0 $0x900, s7  }
0xfb: {  	s14 =	simm.s32 @!p0 $0x0;
	s18 =	simm.s32 @!p0 $0x2400;
	s11 =	sadd.s32 @!p0 s1, s7  }
0xfc: {  	[tilespmem:s18], [sflag:$0x3] =	stream.linear.gather @!p0 [hbm4b:s11+s14], $0x1200, $0x38;
	[tilespmem:$0x1B000] =	vst v63  }
.Ltmp10:
0xfd: {  	_ = 	snop;
	(pc) =	sbr.rel @!p1 .LBB2_20-.Ltmp10, $4  }
0xfe: {  	s7 =	sadd.s32 @!p0 s4, s7;
	s11 =	simm.s32 @!p0 $0x6C00  }
0xff: {  	[tilespmem:s11], [sflag:$0x7] =	stream.linear.gather @!p0 [hbm4b:s7+s14], $0x1200, $0x38;
	[tilespmem:$0x1B000] =	vst v63  }
0x100: {  	s14 =	sor.u32 @!p0 $0x3, s13  }
0x101: {  	s13 =	sadd.s32 @!p0 s6, s14  }
0x102: {  	_ =	swait.ge [sflag:s10], $0x4800  }
0x103: {  	[sflag:s10] =	ssyncset.done $0x0  }
0x104: {  	s13 =	smov.u32 @p0 s17;
	s14 =	simm.s32 @p0 $0x5F;
	[sflag:s10] =	ssyncadd.s32 $0xFFFFB800  }
.LBB2_20:
0x105: {  	s7 =	simm.s32 $0x16840  }
0x106: {  	[tilespmem:s7+$0xFFFFFFC0] =	vst v0  }
0x107: {  	[tilespmem:s7+$0x30] =	vst v0  }
0x108: {  	[tilespmem:s7+$0x20] =	vst v0  }
0x109: {  	[tilespmem:s7+$0x10] =	vst v0  }
0x10a: {  	[tilespmem:s7+$0x0] =	vst v0  }
0x10b: {  	[tilespmem:s7+$0xFFFFFFF0] =	vst v0  }
0x10c: {  	s11 =	simm.s32 $0x0;
	[tilespmem:s7+$0xFFFFFFE0] =	vst v0  }
.LBB2_21:
0x10d: {  	s11 =	sadd.s32 $0x80, s11;
	[tilespmem:s7+$0xFFFFFFD0] =	vst v0;
	s7 =	sadd.s32 $0x80, s7  }
0x10e: {  	[tilespmem:s7+$0xFFFFFFC0] =	vst v0;
	p1 =	slt.u32 s11, $0x4780  }
0x10f: {  	[tilespmem:s7+$0x30] =	vst v0  }
.Ltmp11:
0x110: {  	[tilespmem:s7+$0x20] =	vst v0;
	(pc) =	sbr.rel @p1 .LBB2_21-.Ltmp11, $4  }
0x111: {  	[tilespmem:s7+$0x10] =	vst v0  }
0x112: {  	[tilespmem:s7+$0x0] =	vst v0  }
0x113: {  	[tilespmem:s7+$0xFFFFFFF0] =	vst v0  }
0x114: {  	[tilespmem:s7+$0xFFFFFFE0] =	vst v0  }
0x115: {  	[tilespmem:s7+$0xFFFFFFD0] =	vst v0  }
0x116: {  	_ =	swait.ge [sflag:s21], $0x1200  }
0x117: {  	[sflag:s21] =	ssyncset.done $0x0  }
0x118: {  	[sflag:s21] =	ssyncadd.s32 $0xFFFFEE00  }
0x119: {  	_ =	swait.ge [sflag:s22], $0x1200  }
0x11a: {  	[sflag:s22] =	ssyncset.done $0x0  }
0x11b: {  	s18 =	simm.s32 $0x7E20;
	[sflag:s22] =	ssyncadd.s32 $0xFFFFEE00  }
0x11c: {  	v2 =	vld [tilespmem:s18+$0x10]  }
0x11d: {  	v3 =	vld [tilespmem:s18+$0xFFFFFFE0]  }
0x11e: {  	s11 =	sand.u32 $0x7, s14;
	v5 =	vld [tilespmem:s18+$0xFFFFFFF0]  }
0x11f: {  	s11 =	smul.u32 $0x4800, s11;
	v8 =	vld [tilespmem:s18+$0x0]  }
0x120: {  	s14 =	simm.s32 $0x3620  }
0x121: {  	v1 =	vmov s11;
	v11 =	vld [tilespmem:s14+$0x10];
	s18 =	simm.s32 $0x7E60  }
0x122: {  	v10 =	vld [tilespmem:s18+$0x10];
	v4 =	vsub.s32 v2, v1;
	v6 =	vsub.s32 v3, v1;
	v2 =	vand.u32 $0x7F, v2  }
0x123: {  	v12 =	vsub.s32 v5, v1;
	v5 =	vand.u32 $0x7F, v5;
	v7 =	vand.u32 $0xFFFFFF80, v4;
	v4 =	vld [tilespmem:s18+$0xFFFFFFE0]  }
0x124: {  	v14 =	vand.u32 $0x7F, v8;
	v9 =	vand.u32 $0xFFFFFF80, v6;
	v6 =	vld [tilespmem:s18+$0xFFFFFFF0];
	v13 =	vor.u32 v2, v7  }
0x125: {  	v2 =	vand.u32 $0x7F, v3;
	v3 =	vand.u32 $0xFFFFFF80, v12;
	v12 =	vsub.s32 v8, v1;
	v7 =	vld [tilespmem:s18+$0x0]  }
0x126: {  	v12 =	vand.u32 $0xFFFFFF80, v12;
	v2 =	vor.u32 v2, v9;
	v9 =	vld [tilespmem:s14+$0xFFFFFFF0];
	v8 =	vor.u32 v5, v3  }
0x127: {  	v5 =	vld [tilespmem:s14+$0x0];
	v3 =	vor.u32 v14, v12;
	v12 =	vsub.s32 v10, v1  }
0x128: {  	v15 =	vand.u32 $0x7F, v10;
	v10 =	vld [tilespmem:s14+$0xFFFFFFE0];
	s14 =	simm.s32 $0x3660;
	v12 =	vand.u32 $0xFFFFFF80, v12;
	v14 =	vsub.s32 v4, v1  }
0x129: {  	s7 =	simm.s32 $0x40;
	s11 =	simm.s32 $0x7EA0;
	v12 =	vor.u32 v15, v12;
	[tilespmem:v13+s23+$0x0] =	vst.idx.msk $0xffff, v11;
	v13 =	vand.u32 $0xFFFFFF80, v14;
	v14 =	vsub.s32 v6, v1;
	v11 =	vld [tilespmem:s14+$0x10]  }
.LBB2_23:
0x12a: {  	v15 =	vld [tilespmem:s11+$0x10];
	s7 =	sadd.s32 $0x40, s7;
	v16 =	vand.u32 $0x7F, v4;
	v14 =	vand.u32 $0xFFFFFF80, v14;
	v17 =	vsub.s32 v7, v1  }
0x12b: {  	v18 =	vand.u32 $0x7F, v6;
	v7 =	vand.u32 $0x7F, v7;
	v4 =	vld [tilespmem:s11+$0xFFFFFFE0];
	p1 =	slt.u32 s7, $0x11C0;
	v17 =	vand.u32 $0xFFFFFF80, v17;
	[tilespmem:v8+s23+$0x0] =	vst.idx.msk $0xffff, v9  }
0x12c: {  	v9 =	vor.u32 v16, v13;
	v8 =	vor.u32 v18, v14;
	v6 =	vld [tilespmem:s11+$0xFFFFFFF0];
	v13 =	vor.u32 v7, v17  }
.Ltmp12:
0x12d: {  	v7 =	vld [tilespmem:s11+$0x0];
	[tilespmem:v2+s23+$0x0] =	vst.idx.msk $0xffff, v10;
	v2 =	vmov v9;
	(pc) =	sbr.rel @p1 .LBB2_23-.Ltmp12, $4  }
0x12e: {  	v9 =	vld [tilespmem:s14+$0xFFFFFFF0];
	[tilespmem:v12+s23+$0x0] =	vst.idx.msk $0xffff, v11  }
0x12f: {  	v10 =	vsub.s32 v15, v1;
	[tilespmem:v3+s23+$0x0] =	vst.idx.msk $0xffff, v5;
	v5 =	vld [tilespmem:s14+$0x0];
	v3 =	vmov v13  }
0x130: {  	v15 =	vand.u32 $0x7F, v15;
	v11 =	vsub.s32 v4, v1;
	v12 =	vand.u32 $0xFFFFFF80, v10;
	v10 =	vld [tilespmem:s14+$0xFFFFFFE0];
	s14 =	sadd.s32 $0x40, s14  }
0x131: {  	s11 =	sadd.s32 $0x40, s11;
	v13 =	vand.u32 $0xFFFFFF80, v11;
	v14 =	vsub.s32 v6, v1;
	v11 =	vld [tilespmem:s14+$0x10];
	v12 =	vor.u32 v15, v12  }
0x132: {  	_ =	sdelay $0x1  }
0x133: {  	v14 =	vand.u32 $0xFFFFFF80, v14;
	v6 =	vand.u32 $0x7F, v6  }
0x134: {  	v4 =	vand.u32 $0x7F, v4;
	v1 =	vsub.s32 v7, v1;
	v61 =	vld [tilespmem:s14+$0xFFFFFFF0];
	v6 =	vor.u32 v6, v14  }
0x135: {  	v62 =	vand.u32 $0x7F, v7;
	v63 =	vld [tilespmem:s14+$0xFFFFFFE0];
	v1 =	vand.u32 $0xFFFFFF80, v1;
	[tilespmem:v8+s23+$0x0] =	vst.idx.msk $0xffff, v9;
	v4 =	vor.u32 v4, v13  }
0x136: {  	v1 =	vor.u32 v62, v1;
	[tilespmem:v2+s23+$0x0] =	vst.idx.msk $0xffff, v10;
	v2 =	vld [tilespmem:s14+$0x0]  }
0x137: {  	[tilespmem:v3+s23+$0x0] =	vst.idx.msk $0xffff, v5  }
.Ltmp13:
0x138: {  	[tilespmem:v12+s23+$0x0] =	vst.idx.msk $0xffff, v11;
	(pc) =	sbr.rel @p0 .LBB2_26-.Ltmp13, $4  }
0x139: {  	s7 =	smul.u32 $0x900, s13;
	[tilespmem:v6+s23+$0x0] =	vst.idx.msk $0xffff, v61  }
0x13a: {  	[tilespmem:v4+s23+$0x0] =	vst.idx.msk $0xffff, v63  }
0x13b: {  	s7 =	sadd.s32 s5, s7;
	[tilespmem:v1+s23+$0x0] =	vst.idx.msk $0xffff, v2  }
0x13c: {  	[hbm4b:s7+s3] =	stream.linear.scatter [tilespmem:s23], [sflag:$0xC], $0x4800, $0x38;
	[tilespmem:$0x1B000] =	vst v63  }
0x13d: {  	s7 =	smul.u32 $0x1200, s13;
	_ =	sdelay $0x1  }
0x13e: {  	s7 =	sshrl.u32 s7, $0x3  }
.Ltmp14:
0x13f: {  	s7 =	sadd.s32 $0x900, s7;
	(pc) =	sbr.rel .LBB2_2-.Ltmp14, $4  }
0x140: {  	s11 =	sadd.s32 s1, s7  }
0x141: {  	[tilespmem:s24], [sflag:$0x4] =	stream.linear.gather [hbm4b:s11+s3], $0x1200, $0x38;
	[tilespmem:$0x1B000] =	vst v63  }
0x142: {  	s12 =	sadd.s32 $0x1, s12;
	s7 =	sadd.s32 s4, s7  }
0x143: {  	[tilespmem:s25], [sflag:$0x8] =	stream.linear.gather [hbm4b:s7+s3], $0x1200, $0x38;
	[tilespmem:$0x1B000] =	vst v63  }
.LBB2_27:
0x144: {  	_ =	sfence.sel $0x180000  }
0x145: {  	[bflag:$0x0] =	sbarrier.arrive $0xFFFF  }
0x146: {  	_ =	strace $0x90000047  }
0x147: {  	s0 =	stileid.u32;
	[bflag:$0x2] =	sbarrier.arrive $0xFFFF  }
0x148: {  	p0 =	sne.s32 s0, $0x0;
	s0 =	rddreg [dreg:$0x2]  }
0x149: {  	s0 =	sadd.s32 @!p0 $0x100000, s0  }
0x14a: {  	[sflag:s0] =	ssyncadd.tile.s32 @!p0 $0x1;
	_ =	shalt  }
.Lfunc_end2:
_tile_overlayer_lowered:
.L_overlay_start_2:
0x14b: {  	(tag) =	ssettag $0x2  }
0x14c: {  	s0 =	rddreg [dreg:$0x0];
	s2 =	stileid.u32  }
0x14d: {  	s1 =	rddreg [dreg:$0x1];
	p0 =	sne.s32 s2, $0x0  }
0x14e: {  	s3 =	rddreg [dreg:$0x2];
	[bflag:$0x3] =	sbarrier.arrive $0xFFFF;
	s2 =	simm.s32 @!p0 $0x1C0D  }
0x14f: {  	[timem:s3], [sflag:s2] =	dma.local @!p0 [hbm:s0], s1  }
0x150: {  	s0 =	simm.s32 @!p0 $0xD  }
0x151: {  	_ =	swait.ge @!p0 [sflag:s0], s1  }
0x152: {  	s1 =	ssub.s32 @!p0 $0x0, s1;
	[sflag:s0] =	ssyncset.done @!p0 $0x0  }
0x153: {  	[sflag:s0] =	ssyncadd.s32 @!p0 s1  }
0x154: {  	[bflag:$0x3] =	sbarrier.arrive $0xFFFF  }
0x155: {  	_ =	shalt  }

</sc_bundles>
